<compile_context>
chip_gen: v7x
topology: tpu7x:2x2x1
jax: 0.10.2.dev20260603
libtpu: 0.0.44.dev20260713+nightly
codegen_flags: <defaults>
</compile_context>

<pallas_src>
import jax
import jax.numpy as jnp
from jax import lax
from jax.experimental import pallas as pl
from jax.experimental.pallas import tpu as pltpu
from jax.experimental.pallas import tpu_sc as plsc

B = 4096
R = 200
REL_DIM = 128
H = 128
V = 1024
NO_OP = 1000
RPAD = 1001
NEG = -1e10

B2 = B // 2
BB = 512
BS = 2048

SC_NC = 2
SC_NS = 16
NW = SC_NC * SC_NS
ROWS_PER_W = B2 // NW
SB = 32
N_SUB = ROWS_PER_W // SB
CHUNK_OFF = tuple(range(0, R - 16, 16)) + (R - 16,)
RSTRIDE = 256


def _dot(a, b, dims):
    return lax.dot_general(a, b, (dims, ((), ())),
                           preferred_element_type=jnp.float32)


def _scores_body(prev_ref, q_ref, tbl_ref, wih_ref, bih_ref, bhh_ref,
                 w1_ref, b1_ref, w2_ref, b2_ref, out_ref):
    prev = prev_ref[...]
    col = lax.broadcasted_iota(jnp.int32, (BB, V), 1)
    onehot = (prev == col).astype(jnp.bfloat16)
    tbl = tbl_ref[...]
    t_hi = tbl.astype(jnp.bfloat16)
    t_lo = (tbl - t_hi.astype(jnp.float32)).astype(jnp.bfloat16)
    prev_emb = (_dot(onehot, t_hi, ((1,), (0,))) +
                _dot(onehot, t_lo, ((1,), (0,))))
    gates = (_dot(prev_emb, wih_ref[...], ((1,), (1,)))
             + bih_ref[...] + bhh_ref[...])
    i_g = jax.nn.sigmoid(gates[:, 0 * H:1 * H])
    g_g = jnp.tanh(gates[:, 2 * H:3 * H])
    o_g = jax.nn.sigmoid(gates[:, 3 * H:4 * H])
    hx = o_g * jnp.tanh(i_g * g_g)
    lstm = jnp.where(prev == NO_OP, 0.0, hx)
    state = jnp.concatenate([lstm, q_ref[...]], axis=1)
    hidden = jax.nn.relu(_dot(state, w1_ref[...], ((1,), (1,))) + b1_ref[...])
    chosen = _dot(hidden, w2_ref[...], ((1,), (1,))) + b2_ref[...]
    scores = _dot(chosen, tbl, ((1,), (1,)))
    out_ref[...] = jnp.where(col == RPAD, NEG, scores).reshape(BB * V)


def _all_scores(h, prev2d, q, rel_table, wih, bih, bhh, w1, b1, w2, b2):
    grid = B2 // BB
    goff = h * grid
    return pl.pallas_call(
        _scores_body,
        grid=(grid,),
        in_specs=[
            pl.BlockSpec((BB, 1), lambda i: (i + goff, 0)),
            pl.BlockSpec((BB, REL_DIM), lambda i: (i + goff, 0)),
            pl.BlockSpec((V, REL_DIM), lambda i: (0, 0)),
            pl.BlockSpec((4 * H, REL_DIM), lambda i: (0, 0)),
            pl.BlockSpec((1, 4 * H), lambda i: (0, 0)),
            pl.BlockSpec((1, 4 * H), lambda i: (0, 0)),
            pl.BlockSpec((256, 256), lambda i: (0, 0)),
            pl.BlockSpec((1, 256), lambda i: (0, 0)),
            pl.BlockSpec((REL_DIM, 256), lambda i: (0, 0)),
            pl.BlockSpec((1, REL_DIM), lambda i: (0, 0)),
        ],
        out_specs=pl.BlockSpec((BB * V,), lambda i: (i,)),
        out_shape=jax.ShapeDtypeStruct((B2 * V,), jnp.float32),
    )(prev2d, q, rel_table, wih, bih, bhh, w1, b1, w2, b2)


def _sc_gather_body(h, scores_hbm, idx_hbm, out_hbm,
                    sc0, sc1, ix0, ix1, ot0, ot1,
                    ss0, ss1, si0, si1, so0, so1):
    wid = lax.axis_index("s") * SC_NC + lax.axis_index("c")
    base = wid * ROWS_PER_W
    scb, ixb, otb = (sc0, sc1), (ix0, ix1), (ot0, ot1)
    ssem, isem, osem = (ss0, ss1), (si0, si1), (so0, so1)

    def start_in(bi, buf):
        row0 = base + bi * SB
        h_s = pltpu.async_copy(scores_hbm.at[pl.ds(row0 * V, SB * V)],
                               scb[buf], ssem[buf])
        h_i = pltpu.async_copy(idx_hbm.at[pl.ds(h * B2 + row0, SB)],
                               ixb[buf], isem[buf])
        return h_s, h_i

    in_handles = {0: start_in(0, 0)}
    out_handles = [None, None]
    for bi in range(N_SUB):
        buf = bi % 2
        h_s, h_i = in_handles.pop(bi)
        h_s.wait()
        h_i.wait()
        if bi + 1 < N_SUB:
            in_handles[bi + 1] = start_in(bi + 1, 1 - buf)
        if out_handles[buf] is not None:
            out_handles[buf].wait()
        sc_v, ix_v, ot_v = scb[buf], ixb[buf], otb[buf]

        def per_row(i, _):
            s_base = i * V
            for off in CHUNK_OFF:
                cidx = ix_v[i, pl.ds(off, 16)]
                vals = plsc.load_gather(sc_v, [cidx + s_base])
                ot_v[i, pl.ds(off, 16)] = vals
            return _

        lax.fori_loop(0, SB, per_row, None)
        row0 = base + bi * SB
        out_handles[buf] = pltpu.async_copy(
            ot_v, out_hbm.at[pl.ds(row0, SB)], osem[buf])
    for oh in out_handles:
        if oh is not None:
            oh.wait()


def _sc_gather(h, scores_flat, idx):
    import functools as _ft
    run = pl.kernel(
        _ft.partial(_sc_gather_body, h),
        mesh=plsc.VectorSubcoreMesh(core_axis_name="c", subcore_axis_name="s"),
        compiler_params=pltpu.CompilerParams(needs_layout_passes=False),
        out_type=jax.ShapeDtypeStruct((B2, R), jnp.float32),
        scratch_types=[
            pltpu.VMEM((SB * V,), jnp.float32),
            pltpu.VMEM((SB * V,), jnp.float32),
            pltpu.VMEM((SB, R), jnp.int32),
            pltpu.VMEM((SB, R), jnp.int32),
            pltpu.VMEM((SB, R), jnp.float32),
            pltpu.VMEM((SB, R), jnp.float32),
            pltpu.SemaphoreType.DMA,
            pltpu.SemaphoreType.DMA,
            pltpu.SemaphoreType.DMA,
            pltpu.SemaphoreType.DMA,
            pltpu.SemaphoreType.DMA,
            pltpu.SemaphoreType.DMA,
        ],
    )
    return run(scores_flat, idx)


def _softmax_body(x_ref, o_ref):
    x = x_ref[...]
    m = jnp.max(x, axis=1, keepdims=True)
    s = jnp.sum(jnp.exp(x - m), axis=1, keepdims=True)
    o_ref[...] = x - (m + jnp.log(s))


def _log_softmax(sel):
    grid = B2 // BS
    return pl.pallas_call(
        _softmax_body,
        grid=(grid,),
        in_specs=[pl.BlockSpec((BS, R), lambda i: (i, 0))],
        out_specs=pl.BlockSpec((BS, R), lambda i: (i, 0)),
        out_shape=jax.ShapeDtypeStruct((B2, R), jnp.float32),
    )(sel)


def kernel(prev_relations, query_relation_embds, hl_space, rel_table,
           W_ih, W_hh, b_ih, b_hh, W1, b1, W2, b2):
    prev2d = prev_relations.astype(jnp.int32).reshape(B, 1)
    idx = hl_space[:, :, 0].astype(jnp.int32)
    args = (query_relation_embds, rel_table, W_ih,
            b_ih.reshape(1, 4 * H), b_hh.reshape(1, 4 * H),
            W1, b1.reshape(1, 256), W2, b2.reshape(1, REL_DIM))
    scores0 = _all_scores(0, prev2d, *args)
    sel0 = _sc_gather(0, scores0, idx)
    scores1 = _all_scores(1, prev2d, *args)
    sel1 = _sc_gather(1, scores1, idx)
    out0 = _log_softmax(sel0)
    out1 = _log_softmax(sel1)
    return jnp.concatenate([out0, out1], axis=0)

# --- scband reference (transcript-rebuilt; emitter-appended) ---
"""Pipeline reference for scband-high-level-agent-70514773066412 (READ-ONLY COPY).

The authoritative reference and input builder live on the scoring server;
editing this copy changes nothing except your own understanding.
"""

import jax, jax.numpy as jnp
import numpy as np

NUM_ENT = 100000
REL_DIM = 128
STATE_DIM = 128
MLP_IN = 256
MLP_HID = 256
NUM_REL = 500
NO_OP = NUM_REL * 2        # 1000
RPAD = NUM_REL * 2 + 1     # 1001
B = 4096
R = 200


def setup_inputs(seed: int = 0) -> dict:
    key = jax.random.key(seed)
    ks = jax.random.split(key, 13)
    s = 1.0 / np.sqrt(STATE_DIM)
    inp = {}
    # forward args
    inp['prev_relations'] = jax.random.randint(ks[0], (B,), 0, NUM_REL * 2 + 2)
    inp['query_relation_embds'] = jax.random.normal(ks[1], (B, REL_DIM), dtype=jnp.float32)
    inp['hl_space'] = jax.random.randint(ks[2], (B, R, 2), 0, NUM_REL * 2 + 2)
    # learned parameters
    inp['rel_table'] = jax.random.normal(ks[3], (NUM_ENT, REL_DIM), dtype=jnp.float32)
    inp['W_ih'] = jax.random.uniform(ks[4], (4 * STATE_DIM, REL_DIM), minval=-s, maxval=s, dtype=jnp.float32)
    inp['W_hh'] = jax.random.uniform(ks[5], (4 * STATE_DIM, STATE_DIM), minval=-s, maxval=s, dtype=jnp.float32)
    inp['b_ih'] = jax.random.uniform(ks[6], (4 * STATE_DIM,), minval=-s, maxval=s, dtype=jnp.float32)
    inp['b_hh'] = jax.random.uniform(ks[7], (4 * STATE_DIM,), minval=-s, maxval=s, dtype=jnp.float32)
    s1 = 1.0 / np.sqrt(MLP_IN)
    inp['W1'] = jax.random.uniform(ks[8], (MLP_HID, MLP_IN), minval=-s1, maxval=s1, dtype=jnp.float32)
    inp['b1'] = jax.random.uniform(ks[9], (MLP_HID,), minval=-s1, maxval=s1, dtype=jnp.float32)
    s2 = 1.0 / np.sqrt(MLP_HID)
    inp['W2'] = jax.random.uniform(ks[10], (REL_DIM, MLP_HID), minval=-s2, maxval=s2, dtype=jnp.float32)
    inp['b2'] = jax.random.uniform(ks[11], (REL_DIM,), minval=-s2, maxval=s2, dtype=jnp.float32)
    return inp


def reference(prev_relations, query_relation_embds, hl_space, rel_table,
              W_ih, W_hh, b_ih, b_hh, W1, b1, W2, b2):
    H = STATE_DIM
    # --- High_level_Agent.forward ---
    prev_rel_embds = jnp.take(rel_table, prev_relations, axis=0)          # [B, rel_dim]
    pad_mask_hl = jnp.equal(hl_space[:, :, 0], RPAD)                      # [B, R]
    no_op_mask = jnp.equal(prev_relations, NO_OP)[:, None]                # [B, 1]
    # HistoryEncoder_HL with zero-initialized (hx, cx), one LSTMCell step
    hx0 = jnp.zeros((prev_rel_embds.shape[0], H), dtype=jnp.float32)
    cx0 = jnp.zeros((prev_rel_embds.shape[0], H), dtype=jnp.float32)
    gates = prev_rel_embds @ W_ih.T + b_ih + hx0 @ W_hh.T + b_hh
    i = jax.nn.sigmoid(gates[:, 0 * H:1 * H])
    f = jax.nn.sigmoid(gates[:, 1 * H:2 * H])
    g = jnp.tanh(gates[:, 2 * H:3 * H])
    o = jax.nn.sigmoid(gates[:, 3 * H:4 * H])
    cx_ = f * cx0 + i * g
    hx_ = o * jnp.tanh(cx_)
    lstm_output = jnp.where(no_op_mask, hx0, hx_)                         # [B, state_dim]
    # neighbor relation embeddings (big gather)
    neighbors_relations = jnp.take(rel_table, hl_space[:, :, 0], axis=0)  # [B, R, rel_dim]
    # state
    state = jnp.concatenate([lstm_output, query_relation_embds], axis=-1)  # [B, 256]
    # --- transit_high / PolicyMLP_High (eval mode, dropout = identity) ---
    hidden = jax.nn.relu(state @ W1.T + b1)
    chosen_relation = (hidden @ W2.T + b2)[:, None, :]                    # [B, 1, rel_dim]
    # --- get_score_hl ---
    relation_score = jnp.sum(neighbors_relations * chosen_relation, axis=2)  # [B, R]
    relation_score = jnp.where(pad_mask_hl, jnp.float32(-1e10), relation_score)
    logits_hl = jax.nn.log_softmax(relation_score, axis=1)
    return logits_hl

if __name__ == "__main__":
    import jax
    _d = setup_inputs()
    print(jax.jit(kernel)(*tuple(_d.values())))

</pallas_src>

<mosaic_0001>
#map = affine_map<(d0, d1) -> (0)>
#map1 = affine_map<(d0, d1) -> (0, 0)>
module attributes {stable_mosaic.version = 14 : i64} {
  func.func @_sc_gather_body(%arg0: i32, %arg1: i32, %arg2: memref<2097152xf32, #tpu.memory_space<hbm>>, %arg3: memref<4096x200xi32, #tpu.memory_space<hbm>>, %arg4: memref<2048x200xf32, #tpu.memory_space<hbm>>, %arg5: memref<32768xf32, #tpu.memory_space<vmem>>, %arg6: memref<32768xf32, #tpu.memory_space<vmem>>, %arg7: memref<32x200xi32, #tpu.memory_space<vmem>>, %arg8: memref<32x200xi32, #tpu.memory_space<vmem>>, %arg9: memref<32x200xf32, #tpu.memory_space<vmem>>, %arg10: memref<32x200xf32, #tpu.memory_space<vmem>>, %arg11: memref<!tpu.dma_semaphore, #tpu.memory_space<semaphore_mem>>, %arg12: memref<!tpu.dma_semaphore, #tpu.memory_space<semaphore_mem>>, %arg13: memref<!tpu.dma_semaphore, #tpu.memory_space<semaphore_mem>>, %arg14: memref<!tpu.dma_semaphore, #tpu.memory_space<semaphore_mem>>, %arg15: memref<!tpu.dma_semaphore, #tpu.memory_space<semaphore_mem>>, %arg16: memref<!tpu.dma_semaphore, #tpu.memory_space<semaphore_mem>>) attributes {dimension_semantics = [#tpu.dimension_semantics<core_parallel>, #tpu.dimension_semantics<subcore_parallel>], iteration_bounds = array<i64: 2, 16>, scalar_prefetch = 0 : i64, scratch_operands = 12 : i64, tpu.core_type = #tpu.core_type<sc_vector_subcore>, window_params = [{transform_indices = #map}, {transform_indices = #map1}, {transform_indices = #map1}]} {
    %mul3A = arith.constant 2 : i32
    %mul3A_0 = arith.muli %arg1, %mul3A : i32
    %add3A = arith.addi %mul3A_0, %arg0 : i32
    %mul3A_1 = arith.constant 64 : i32
    %mul3A_2 = arith.muli %add3A, %mul3A_1 : i32
    %add3A_3 = arith.constant 0 : i32
    %add3A_4 = arith.addi %mul3A_2, %add3A_3 : i32
    %mul3A_5 = arith.constant 1024 : i32
    %mul3A_6 = arith.muli %add3A_4, %mul3A_5 : i32
    %dma_start3A = tpu.memref_slice %arg2[%mul3A_6] : memref<2097152xf32, #tpu.memory_space<hbm>> -> memref<32768xf32, #tpu.memory_space<hbm>>
    %dma_start3A_7 = tpu.memref_slice %arg2[%mul3A_6] : memref<2097152xf32, #tpu.memory_space<hbm>> -> memref<32768xf32, #tpu.memory_space<hbm>>
    tpu.enqueue_dma source(%dma_start3A_7 : memref<32768xf32, #tpu.memory_space<hbm>>) target(%arg5 : memref<32768xf32, #tpu.memory_space<vmem>>) target_semaphore(%arg11 : memref<!tpu.dma_semaphore, #tpu.memory_space<semaphore_mem>>)
    %add3A_8 = arith.constant 2048 : i32
    %add3A_9 = arith.addi %add3A_8, %add3A_4 : i32
    %dma_start3A_10 = arith.constant 0 : i32
    %dma_start3A_11 = tpu.memref_slice %arg3[%add3A_9, %dma_start3A_10] : memref<4096x200xi32, #tpu.memory_space<hbm>> -> memref<32x200xi32, #tpu.memory_space<hbm>>
    %dma_start3A_12 = arith.constant 0 : i32
    %dma_start3A_13 = tpu.memref_slice %arg3[%add3A_9, %dma_start3A_12] : memref<4096x200xi32, #tpu.memory_space<hbm>> -> memref<32x200xi32, #tpu.memory_space<hbm>>
    tpu.enqueue_dma source(%dma_start3A_13 : memref<32x200xi32, #tpu.memory_space<hbm>>) target(%arg7 : memref<32x200xi32, #tpu.memory_space<vmem>>) target_semaphore(%arg13 : memref<!tpu.dma_semaphore, #tpu.memory_space<semaphore_mem>>)
    %dma_wait3A = tpu.memref_slice %arg2[%mul3A_6] : memref<2097152xf32, #tpu.memory_space<hbm>> -> memref<32768xf32, #tpu.memory_space<hbm>>
    %dma_wait3A_14 = tpu.memref_slice %arg2[%mul3A_6] : memref<2097152xf32, #tpu.memory_space<hbm>> -> memref<32768xf32, #tpu.memory_space<hbm>>
    tpu.wait_dma2 semaphore(%arg11 : memref<!tpu.dma_semaphore, #tpu.memory_space<semaphore_mem>>) src(%dma_wait3A_14 : memref<32768xf32, #tpu.memory_space<hbm>>) dst(%arg5 : memref<32768xf32, #tpu.memory_space<vmem>>)
    %dma_wait3A_15 = arith.constant 0 : i32
    %dma_wait3A_16 = tpu.memref_slice %arg3[%add3A_9, %dma_wait3A_15] : memref<4096x200xi32, #tpu.memory_space<hbm>> -> memref<32x200xi32, #tpu.memory_space<hbm>>
    %dma_wait3A_17 = arith.constant 0 : i32
    %dma_wait3A_18 = tpu.memref_slice %arg3[%add3A_9, %dma_wait3A_17] : memref<4096x200xi32, #tpu.memory_space<hbm>> -> memref<32x200xi32, #tpu.memory_space<hbm>>
    tpu.wait_dma2 semaphore(%arg13 : memref<!tpu.dma_semaphore, #tpu.memory_space<semaphore_mem>>) src(%dma_wait3A_18 : memref<32x200xi32, #tpu.memory_space<hbm>>) dst(%arg7 : memref<32x200xi32, #tpu.memory_space<vmem>>)
    %add3A_19 = arith.constant 32 : i32
    %add3A_20 = arith.addi %mul3A_2, %add3A_19 : i32
    %mul3A_21 = arith.constant 1024 : i32
    %mul3A_22 = arith.muli %add3A_20, %mul3A_21 : i32
    %dma_start3A_23 = tpu.memref_slice %arg2[%mul3A_22] : memref<2097152xf32, #tpu.memory_space<hbm>> -> memref<32768xf32, #tpu.memory_space<hbm>>
    %dma_start3A_24 = tpu.memref_slice %arg2[%mul3A_22] : memref<2097152xf32, #tpu.memory_space<hbm>> -> memref<32768xf32, #tpu.memory_space<hbm>>
    tpu.enqueue_dma source(%dma_start3A_24 : memref<32768xf32, #tpu.memory_space<hbm>>) target(%arg6 : memref<32768xf32, #tpu.memory_space<vmem>>) target_semaphore(%arg12 : memref<!tpu.dma_semaphore, #tpu.memory_space<semaphore_mem>>)
    %add3A_25 = arith.constant 2048 : i32
    %add3A_26 = arith.addi %add3A_25, %add3A_20 : i32
    %dma_start3A_27 = arith.constant 0 : i32
    %dma_start3A_28 = tpu.memref_slice %arg3[%add3A_26, %dma_start3A_27] : memref<4096x200xi32, #tpu.memory_space<hbm>> -> memref<32x200xi32, #tpu.memory_space<hbm>>
    %dma_start3A_29 = arith.constant 0 : i32
    %dma_start3A_30 = tpu.memref_slice %arg3[%add3A_26, %dma_start3A_29] : memref<4096x200xi32, #tpu.memory_space<hbm>> -> memref<32x200xi32, #tpu.memory_space<hbm>>
    tpu.enqueue_dma source(%dma_start3A_30 : memref<32x200xi32, #tpu.memory_space<hbm>>) target(%arg8 : memref<32x200xi32, #tpu.memory_space<vmem>>) target_semaphore(%arg14 : memref<!tpu.dma_semaphore, #tpu.memory_space<semaphore_mem>>)
    %scan3A = arith.constant 0 : i32
    %scan3A_31 = arith.constant 32 : i32
    %scan3A_32 = arith.addi %scan3A, %scan3A_31 : i32
    %scan3A_33 = arith.constant 1 : i32
    scf.for %scan3A_66 = %scan3A to %scan3A_32 step %scan3A_33  : i32 {
      %mul3A_67 = arith.constant 1024 : i32
      %mul3A_68 = arith.muli %scan3A_66, %mul3A_67 : i32
      %get3A = arith.index_cast %scan3A_66 : i32 to index
      %get3A_69 = arith.constant 0 : index
      %get3A_70 = tpu.vector_load %arg7[%get3A, %get3A_69] {strides = array<i32>} : memref<32x200xi32, #tpu.memory_space<vmem>>, vector<16xi32>,
      %add3A_71 = vector.broadcast %mul3A_68 : i32 to vector<16xi32>
      %add3A_72 = arith.addi %get3A_70, %add3A_71 : vector<16xi32>
      %gather3A = tpu.vector_load_idx %arg5[%add3A_72] : memref<32768xf32, #tpu.memory_space<vmem>>[vector<16xi32>], vector<16xf32>,
      %swap3A = arith.index_cast %scan3A_66 : i32 to index
      %swap3A_73 = arith.constant 0 : index
      %swap3A_74 = tpu.vector_load %arg9[%swap3A, %swap3A_73] {strides = array<i32>} : memref<32x200xf32, #tpu.memory_space<vmem>>, vector<16xf32>,
      tpu.vector_store %arg9[%swap3A, %swap3A_73], %gather3A {strides = array<i32>} : memref<32x200xf32, #tpu.memory_space<vmem>>, vector<16xf32>,
      %get3A_75 = arith.index_cast %scan3A_66 : i32 to index
      %get3A_76 = arith.constant 16 : index
      %get3A_77 = tpu.vector_load %arg7[%get3A_75, %get3A_76] {strides = array<i32>} : memref<32x200xi32, #tpu.memory_space<vmem>>, vector<16xi32>,
      %add3A_78 = vector.broadcast %mul3A_68 : i32 to vector<16xi32>
      %add3A_79 = arith.addi %get3A_77, %add3A_78 : vector<16xi32>
      %gather3A_80 = tpu.vector_load_idx %arg5[%add3A_79] : memref<32768xf32, #tpu.memory_space<vmem>>[vector<16xi32>], vector<16xf32>,
      %swap3A_81 = arith.index_cast %scan3A_66 : i32 to index
      %swap3A_82 = arith.constant 16 : index
      %swap3A_83 = tpu.vector_load %arg9[%swap3A_81, %swap3A_82] {strides = array<i32>} : memref<32x200xf32, #tpu.memory_space<vmem>>, vector<16xf32>,
      tpu.vector_store %arg9[%swap3A_81, %swap3A_82], %gather3A_80 {strides = array<i32>} : memref<32x200xf32, #tpu.memory_space<vmem>>, vector<16xf32>,
      %get3A_84 = arith.index_cast %scan3A_66 : i32 to index
      %get3A_85 = arith.constant 32 : index
      %get3A_86 = tpu.vector_load %arg7[%get3A_84, %get3A_85] {strides = array<i32>} : memref<32x200xi32, #tpu.memory_space<vmem>>, vector<16xi32>,
      %add3A_87 = vector.broadcast %mul3A_68 : i32 to vector<16xi32>
      %add3A_88 = arith.addi %get3A_86, %add3A_87 : vector<16xi32>
      %gather3A_89 = tpu.vector_load_idx %arg5[%add3A_88] : memref<32768xf32, #tpu.memory_space<vmem>>[vector<16xi32>], vector<16xf32>,
      %swap3A_90 = arith.index_cast %scan3A_66 : i32 to index
      %swap3A_91 = arith.constant 32 : index
      %swap3A_92 = tpu.vector_load %arg9[%swap3A_90, %swap3A_91] {strides = array<i32>} : memref<32x200xf32, #tpu.memory_space<vmem>>, vector<16xf32>,
      tpu.vector_store %arg9[%swap3A_90, %swap3A_91], %gather3A_89 {strides = array<i32>} : memref<32x200xf32, #tpu.memory_space<vmem>>, vector<16xf32>,
      %get3A_93 = arith.index_cast %scan3A_66 : i32 to index
      %get3A_94 = arith.constant 48 : index
      %get3A_95 = tpu.vector_load %arg7[%get3A_93, %get3A_94] {strides = array<i32>} : memref<32x200xi32, #tpu.memory_space<vmem>>, vector<16xi32>,
      %add3A_96 = vector.broadcast %mul3A_68 : i32 to vector<16xi32>
      %add3A_97 = arith.addi %get3A_95, %add3A_96 : vector<16xi32>
      %gather3A_98 = tpu.vector_load_idx %arg5[%add3A_97] : memref<32768xf32, #tpu.memory_space<vmem>>[vector<16xi32>], vector<16xf32>,
      %swap3A_99 = arith.index_cast %scan3A_66 : i32 to index
      %swap3A_100 = arith.constant 48 : index
      %swap3A_101 = tpu.vector_load %arg9[%swap3A_99, %swap3A_100] {strides = array<i32>} : memref<32x200xf32, #tpu.memory_space<vmem>>, vector<16xf32>,
      tpu.vector_store %arg9[%swap3A_99, %swap3A_100], %gather3A_98 {strides = array<i32>} : memref<32x200xf32, #tpu.memory_space<vmem>>, vector<16xf32>,
      %get3A_102 = arith.index_cast %scan3A_66 : i32 to index
      %get3A_103 = arith.constant 64 : index
      %get3A_104 = tpu.vector_load %arg7[%get3A_102, %get3A_103] {strides = array<i32>} : memref<32x200xi32, #tpu.memory_space<vmem>>, vector<16xi32>,
      %add3A_105 = vector.broadcast %mul3A_68 : i32 to vector<16xi32>
      %add3A_106 = arith.addi %get3A_104, %add3A_105 : vector<16xi32>
      %gather3A_107 = tpu.vector_load_idx %arg5[%add3A_106] : memref<32768xf32, #tpu.memory_space<vmem>>[vector<16xi32>], vector<16xf32>,
      %swap3A_108 = arith.index_cast %scan3A_66 : i32 to index
      %swap3A_109 = arith.constant 64 : index
      %swap3A_110 = tpu.vector_load %arg9[%swap3A_108, %swap3A_109] {strides = array<i32>} : memref<32x200xf32, #tpu.memory_space<vmem>>, vector<16xf32>,
      tpu.vector_store %arg9[%swap3A_108, %swap3A_109], %gather3A_107 {strides = array<i32>} : memref<32x200xf32, #tpu.memory_space<vmem>>, vector<16xf32>,
      %get3A_111 = arith.index_cast %scan3A_66 : i32 to index
      %get3A_112 = arith.constant 80 : index
      %get3A_113 = tpu.vector_load %arg7[%get3A_111, %get3A_112] {strides = array<i32>} : memref<32x200xi32, #tpu.memory_space<vmem>>, vector<16xi32>,
      %add3A_114 = vector.broadcast %mul3A_68 : i32 to vector<16xi32>
      %add3A_115 = arith.addi %get3A_113, %add3A_114 : vector<16xi32>
      %gather3A_116 = tpu.vector_load_idx %arg5[%add3A_115] : memref<32768xf32, #tpu.memory_space<vmem>>[vector<16xi32>], vector<16xf32>,
      %swap3A_117 = arith.index_cast %scan3A_66 : i32 to index
      %swap3A_118 = arith.constant 80 : index
      %swap3A_119 = tpu.vector_load %arg9[%swap3A_117, %swap3A_118] {strides = array<i32>} : memref<32x200xf32, #tpu.memory_space<vmem>>, vector<16xf32>,
      tpu.vector_store %arg9[%swap3A_117, %swap3A_118], %gather3A_116 {strides = array<i32>} : memref<32x200xf32, #tpu.memory_space<vmem>>, vector<16xf32>,
      %get3A_120 = arith.index_cast %scan3A_66 : i32 to index
      %get3A_121 = arith.constant 96 : index
      %get3A_122 = tpu.vector_load %arg7[%get3A_120, %get3A_121] {strides = array<i32>} : memref<32x200xi32, #tpu.memory_space<vmem>>, vector<16xi32>,
      %add3A_123 = vector.broadcast %mul3A_68 : i32 to vector<16xi32>
      %add3A_124 = arith.addi %get3A_122, %add3A_123 : vector<16xi32>
      %gather3A_125 = tpu.vector_load_idx %arg5[%add3A_124] : memref<32768xf32, #tpu.memory_space<vmem>>[vector<16xi32>], vector<16xf32>,
      %swap3A_126 = arith.index_cast %scan3A_66 : i32 to index
      %swap3A_127 = arith.constant 96 : index
      %swap3A_128 = tpu.vector_load %arg9[%swap3A_126, %swap3A_127] {strides = array<i32>} : memref<32x200xf32, #tpu.memory_space<vmem>>, vector<16xf32>,
      tpu.vector_store %arg9[%swap3A_126, %swap3A_127], %gather3A_125 {strides = array<i32>} : memref<32x200xf32, #tpu.memory_space<vmem>>, vector<16xf32>,
      %get3A_129 = arith.index_cast %scan3A_66 : i32 to index
      %get3A_130 = arith.constant 112 : index
      %get3A_131 = tpu.vector_load %arg7[%get3A_129, %get3A_130] {strides = array<i32>} : memref<32x200xi32, #tpu.memory_space<vmem>>, vector<16xi32>,
      %add3A_132 = vector.broadcast %mul3A_68 : i32 to vector<16xi32>
      %add3A_133 = arith.addi %get3A_131, %add3A_132 : vector<16xi32>
      %gather3A_134 = tpu.vector_load_idx %arg5[%add3A_133] : memref<32768xf32, #tpu.memory_space<vmem>>[vector<16xi32>], vector<16xf32>,
      %swap3A_135 = arith.index_cast %scan3A_66 : i32 to index
      %swap3A_136 = arith.constant 112 : index
      %swap3A_137 = tpu.vector_load %arg9[%swap3A_135, %swap3A_136] {strides = array<i32>} : memref<32x200xf32, #tpu.memory_space<vmem>>, vector<16xf32>,
      tpu.vector_store %arg9[%swap3A_135, %swap3A_136], %gather3A_134 {strides = array<i32>} : memref<32x200xf32, #tpu.memory_space<vmem>>, vector<16xf32>,
      %get3A_138 = arith.index_cast %scan3A_66 : i32 to index
      %get3A_139 = arith.constant 128 : index
      %get3A_140 = tpu.vector_load %arg7[%get3A_138, %get3A_139] {strides = array<i32>} : memref<32x200xi32, #tpu.memory_space<vmem>>, vector<16xi32>,
      %add3A_141 = vector.broadcast %mul3A_68 : i32 to vector<16xi32>
      %add3A_142 = arith.addi %get3A_140, %add3A_141 : vector<16xi32>
      %gather3A_143 = tpu.vector_load_idx %arg5[%add3A_142] : memref<32768xf32, #tpu.memory_space<vmem>>[vector<16xi32>], vector<16xf32>,
      %swap3A_144 = arith.index_cast %scan3A_66 : i32 to index
      %swap3A_145 = arith.constant 128 : index
      %swap3A_146 = tpu.vector_load %arg9[%swap3A_144, %swap3A_145] {strides = array<i32>} : memref<32x200xf32, #tpu.memory_space<vmem>>, vector<16xf32>,
      tpu.vector_store %arg9[%swap3A_144, %swap3A_145], %gather3A_143 {strides = array<i32>} : memref<32x200xf32, #tpu.memory_space<vmem>>, vector<16xf32>,
      %get3A_147 = arith.index_cast %scan3A_66 : i32 to index
      %get3A_148 = arith.constant 144 : index
      %get3A_149 = tpu.vector_load %arg7[%get3A_147, %get3A_148] {strides = array<i32>} : memref<32x200xi32, #tpu.memory_space<vmem>>, vector<16xi32>,
      %add3A_150 = vector.broadcast %mul3A_68 : i32 to vector<16xi32>
      %add3A_151 = arith.addi %get3A_149, %add3A_150 : vector<16xi32>
      %gather3A_152 = tpu.vector_load_idx %arg5[%add3A_151] : memref<32768xf32, #tpu.memory_space<vmem>>[vector<16xi32>], vector<16xf32>,
      %swap3A_153 = arith.index_cast %scan3A_66 : i32 to index
      %swap3A_154 = arith.constant 144 : index
      %swap3A_155 = tpu.vector_load %arg9[%swap3A_153, %swap3A_154] {strides = array<i32>} : memref<32x200xf32, #tpu.memory_space<vmem>>, vector<16xf32>,
      tpu.vector_store %arg9[%swap3A_153, %swap3A_154], %gather3A_152 {strides = array<i32>} : memref<32x200xf32, #tpu.memory_space<vmem>>, vector<16xf32>,
      %get3A_156 = arith.index_cast %scan3A_66 : i32 to index
      %get3A_157 = arith.constant 160 : index
      %get3A_158 = tpu.vector_load %arg7[%get3A_156, %get3A_157] {strides = array<i32>} : memref<32x200xi32, #tpu.memory_space<vmem>>, vector<16xi32>,
      %add3A_159 = vector.broadcast %mul3A_68 : i32 to vector<16xi32>
      %add3A_160 = arith.addi %get3A_158, %add3A_159 : vector<16xi32>
      %gather3A_161 = tpu.vector_load_idx %arg5[%add3A_160] : memref<32768xf32, #tpu.memory_space<vmem>>[vector<16xi32>], vector<16xf32>,
      %swap3A_162 = arith.index_cast %scan3A_66 : i32 to index
      %swap3A_163 = arith.constant 160 : index
      %swap3A_164 = tpu.vector_load %arg9[%swap3A_162, %swap3A_163] {strides = array<i32>} : memref<32x200xf32, #tpu.memory_space<vmem>>, vector<16xf32>,
      tpu.vector_store %arg9[%swap3A_162, %swap3A_163], %gather3A_161 {strides = array<i32>} : memref<32x200xf32, #tpu.memory_space<vmem>>, vector<16xf32>,
      %get3A_165 = arith.index_cast %scan3A_66 : i32 to index
      %get3A_166 = arith.constant 176 : index
      %get3A_167 = tpu.vector_load %arg7[%get3A_165, %get3A_166] {strides = array<i32>} : memref<32x200xi32, #tpu.memory_space<vmem>>, vector<16xi32>,
      %add3A_168 = vector.broadcast %mul3A_68 : i32 to vector<16xi32>
      %add3A_169 = arith.addi %get3A_167, %add3A_168 : vector<16xi32>
      %gather3A_170 = tpu.vector_load_idx %arg5[%add3A_169] : memref<32768xf32, #tpu.memory_space<vmem>>[vector<16xi32>], vector<16xf32>,
      %swap3A_171 = arith.index_cast %scan3A_66 : i32 to index
      %swap3A_172 = arith.constant 176 : index
      %swap3A_173 = tpu.vector_load %arg9[%swap3A_171, %swap3A_172] {strides = array<i32>} : memref<32x200xf32, #tpu.memory_space<vmem>>, vector<16xf32>,
      tpu.vector_store %arg9[%swap3A_171, %swap3A_172], %gather3A_170 {strides = array<i32>} : memref<32x200xf32, #tpu.memory_space<vmem>>, vector<16xf32>,
      %get3A_174 = arith.index_cast %scan3A_66 : i32 to index
      %get3A_175 = arith.constant 184 : index
      %get3A_176 = tpu.vector_load %arg7[%get3A_174, %get3A_175] {strides = array<i32>} : memref<32x200xi32, #tpu.memory_space<vmem>>, vector<16xi32>,
      %add3A_177 = vector.broadcast %mul3A_68 : i32 to vector<16xi32>
      %add3A_178 = arith.addi %get3A_176, %add3A_177 : vector<16xi32>
      %gather3A_179 = tpu.vector_load_idx %arg5[%add3A_178] : memref<32768xf32, #tpu.memory_space<vmem>>[vector<16xi32>], vector<16xf32>,
      %swap3A_180 = arith.index_cast %scan3A_66 : i32 to index
      %swap3A_181 = arith.constant 184 : index
      %swap3A_182 = tpu.vector_load %arg9[%swap3A_180, %swap3A_181] {strides = array<i32>} : memref<32x200xf32, #tpu.memory_space<vmem>>, vector<16xf32>,
      tpu.vector_store %arg9[%swap3A_180, %swap3A_181], %gather3A_179 {strides = array<i32>} : memref<32x200xf32, #tpu.memory_space<vmem>>, vector<16xf32>,
    }
    %scan3A_34 = arith.constant 32 : i32
    %add3A_35 = arith.constant 0 : i32
    %add3A_36 = arith.addi %mul3A_2, %add3A_35 : i32
    %dma_start3A_37 = arith.constant 0 : i32
    %dma_start3A_38 = tpu.memref_slice %arg4[%add3A_36, %dma_start3A_37] : memref<2048x200xf32, #tpu.memory_space<hbm>> -> memref<32x200xf32, #tpu.memory_space<hbm>>
    %dma_start3A_39 = arith.constant 0 : i32
    %dma_start3A_40 = tpu.memref_slice %arg4[%add3A_36, %dma_start3A_39] : memref<2048x200xf32, #tpu.memory_space<hbm>> -> memref<32x200xf32, #tpu.memory_space<hbm>>
    tpu.enqueue_dma source(%arg9 : memref<32x200xf32, #tpu.memory_space<vmem>>) target(%dma_start3A_40 : memref<32x200xf32, #tpu.memory_space<hbm>>) target_semaphore(%arg15 : memref<!tpu.dma_semaphore, #tpu.memory_space<semaphore_mem>>)
    %dma_wait3A_41 = tpu.memref_slice %arg2[%mul3A_22] : memref<2097152xf32, #tpu.memory_space<hbm>> -> memref<32768xf32, #tpu.memory_space<hbm>>
    %dma_wait3A_42 = tpu.memref_slice %arg2[%mul3A_22] : memref<2097152xf32, #tpu.memory_space<hbm>> -> memref<32768xf32, #tpu.memory_space<hbm>>
    tpu.wait_dma2 semaphore(%arg12 : memref<!tpu.dma_semaphore, #tpu.memory_space<semaphore_mem>>) src(%dma_wait3A_42 : memref<32768xf32, #tpu.memory_space<hbm>>) dst(%arg6 : memref<32768xf32, #tpu.memory_space<vmem>>)
    %dma_wait3A_43 = arith.constant 0 : i32
    %dma_wait3A_44 = tpu.memref_slice %arg3[%add3A_26, %dma_wait3A_43] : memref<4096x200xi32, #tpu.memory_space<hbm>> -> memref<32x200xi32, #tpu.memory_space<hbm>>
    %dma_wait3A_45 = arith.constant 0 : i32
    %dma_wait3A_46 = tpu.memref_slice %arg3[%add3A_26, %dma_wait3A_45] : memref<4096x200xi32, #tpu.memory_space<hbm>> -> memref<32x200xi32, #tpu.memory_space<hbm>>
    tpu.wait_dma2 semaphore(%arg14 : memref<!tpu.dma_semaphore, #tpu.memory_space<semaphore_mem>>) src(%dma_wait3A_46 : memref<32x200xi32, #tpu.memory_space<hbm>>) dst(%arg8 : memref<32x200xi32, #tpu.memory_space<vmem>>)
    %scan3A_47 = arith.constant 0 : i32
    %scan3A_48 = arith.constant 32 : i32
    %scan3A_49 = arith.addi %scan3A_47, %scan3A_48 : i32
    %scan3A_50 = arith.constant 1 : i32
    scf.for %scan3A_66 = %scan3A_47 to %scan3A_49 step %scan3A_50  : i32 {
      %mul3A_67 = arith.constant 1024 : i32
      %mul3A_68 = arith.muli %scan3A_66, %mul3A_67 : i32
      %get3A = arith.index_cast %scan3A_66 : i32 to index
      %get3A_69 = arith.constant 0 : index
      %get3A_70 = tpu.vector_load %arg8[%get3A, %get3A_69] {strides = array<i32>} : memref<32x200xi32, #tpu.memory_space<vmem>>, vector<16xi32>,
      %add3A_71 = vector.broadcast %mul3A_68 : i32 to vector<16xi32>
      %add3A_72 = arith.addi %get3A_70, %add3A_71 : vector<16xi32>
      %gather3A = tpu.vector_load_idx %arg6[%add3A_72] : memref<32768xf32, #tpu.memory_space<vmem>>[vector<16xi32>], vector<16xf32>,
      %swap3A = arith.index_cast %scan3A_66 : i32 to index
      %swap3A_73 = arith.constant 0 : index
      %swap3A_74 = tpu.vector_load %arg10[%swap3A, %swap3A_73] {strides = array<i32>} : memref<32x200xf32, #tpu.memory_space<vmem>>, vector<16xf32>,
      tpu.vector_store %arg10[%swap3A, %swap3A_73], %gather3A {strides = array<i32>} : memref<32x200xf32, #tpu.memory_space<vmem>>, vector<16xf32>,
      %get3A_75 = arith.index_cast %scan3A_66 : i32 to index
      %get3A_76 = arith.constant 16 : index
      %get3A_77 = tpu.vector_load %arg8[%get3A_75, %get3A_76] {strides = array<i32>} : memref<32x200xi32, #tpu.memory_space<vmem>>, vector<16xi32>,
      %add3A_78 = vector.broadcast %mul3A_68 : i32 to vector<16xi32>
      %add3A_79 = arith.addi %get3A_77, %add3A_78 : vector<16xi32>
      %gather3A_80 = tpu.vector_load_idx %arg6[%add3A_79] : memref<32768xf32, #tpu.memory_space<vmem>>[vector<16xi32>], vector<16xf32>,
      %swap3A_81 = arith.index_cast %scan3A_66 : i32 to index
      %swap3A_82 = arith.constant 16 : index
      %swap3A_83 = tpu.vector_load %arg10[%swap3A_81, %swap3A_82] {strides = array<i32>} : memref<32x200xf32, #tpu.memory_space<vmem>>, vector<16xf32>,
      tpu.vector_store %arg10[%swap3A_81, %swap3A_82], %gather3A_80 {strides = array<i32>} : memref<32x200xf32, #tpu.memory_space<vmem>>, vector<16xf32>,
      %get3A_84 = arith.index_cast %scan3A_66 : i32 to index
      %get3A_85 = arith.constant 32 : index
      %get3A_86 = tpu.vector_load %arg8[%get3A_84, %get3A_85] {strides = array<i32>} : memref<32x200xi32, #tpu.memory_space<vmem>>, vector<16xi32>,
      %add3A_87 = vector.broadcast %mul3A_68 : i32 to vector<16xi32>
      %add3A_88 = arith.addi %get3A_86, %add3A_87 : vector<16xi32>
      %gather3A_89 = tpu.vector_load_idx %arg6[%add3A_88] : memref<32768xf32, #tpu.memory_space<vmem>>[vector<16xi32>], vector<16xf32>,
      %swap3A_90 = arith.index_cast %scan3A_66 : i32 to index
      %swap3A_91 = arith.constant 32 : index
      %swap3A_92 = tpu.vector_load %arg10[%swap3A_90, %swap3A_91] {strides = array<i32>} : memref<32x200xf32, #tpu.memory_space<vmem>>, vector<16xf32>,
      tpu.vector_store %arg10[%swap3A_90, %swap3A_91], %gather3A_89 {strides = array<i32>} : memref<32x200xf32, #tpu.memory_space<vmem>>, vector<16xf32>,
      %get3A_93 = arith.index_cast %scan3A_66 : i32 to index
      %get3A_94 = arith.constant 48 : index
      %get3A_95 = tpu.vector_load %arg8[%get3A_93, %get3A_94] {strides = array<i32>} : memref<32x200xi32, #tpu.memory_space<vmem>>, vector<16xi32>,
      %add3A_96 = vector.broadcast %mul3A_68 : i32 to vector<16xi32>
      %add3A_97 = arith.addi %get3A_95, %add3A_96 : vector<16xi32>
      %gather3A_98 = tpu.vector_load_idx %arg6[%add3A_97] : memref<32768xf32, #tpu.memory_space<vmem>>[vector<16xi32>], vector<16xf32>,
      %swap3A_99 = arith.index_cast %scan3A_66 : i32 to index
      %swap3A_100 = arith.constant 48 : index
      %swap3A_101 = tpu.vector_load %arg10[%swap3A_99, %swap3A_100] {strides = array<i32>} : memref<32x200xf32, #tpu.memory_space<vmem>>, vector<16xf32>,
      tpu.vector_store %arg10[%swap3A_99, %swap3A_100], %gather3A_98 {strides = array<i32>} : memref<32x200xf32, #tpu.memory_space<vmem>>, vector<16xf32>,
      %get3A_102 = arith.index_cast %scan3A_66 : i32 to index
      %get3A_103 = arith.constant 64 : index
      %get3A_104 = tpu.vector_load %arg8[%get3A_102, %get3A_103] {strides = array<i32>} : memref<32x200xi32, #tpu.memory_space<vmem>>, vector<16xi32>,
      %add3A_105 = vector.broadcast %mul3A_68 : i32 to vector<16xi32>
      %add3A_106 = arith.addi %get3A_104, %add3A_105 : vector<16xi32>
      %gather3A_107 = tpu.vector_load_idx %arg6[%add3A_106] : memref<32768xf32, #tpu.memory_space<vmem>>[vector<16xi32>], vector<16xf32>,
      %swap3A_108 = arith.index_cast %scan3A_66 : i32 to index
      %swap3A_109 = arith.constant 64 : index
      %swap3A_110 = tpu.vector_load %arg10[%swap3A_108, %swap3A_109] {strides = array<i32>} : memref<32x200xf32, #tpu.memory_space<vmem>>, vector<16xf32>,
      tpu.vector_store %arg10[%swap3A_108, %swap3A_109], %gather3A_107 {strides = array<i32>} : memref<32x200xf32, #tpu.memory_space<vmem>>, vector<16xf32>,
      %get3A_111 = arith.index_cast %scan3A_66 : i32 to index
      %get3A_112 = arith.constant 80 : index
      %get3A_113 = tpu.vector_load %arg8[%get3A_111, %get3A_112] {strides = array<i32>} : memref<32x200xi32, #tpu.memory_space<vmem>>, vector<16xi32>,
      %add3A_114 = vector.broadcast %mul3A_68 : i32 to vector<16xi32>
      %add3A_115 = arith.addi %get3A_113, %add3A_114 : vector<16xi32>
      %gather3A_116 = tpu.vector_load_idx %arg6[%add3A_115] : memref<32768xf32, #tpu.memory_space<vmem>>[vector<16xi32>], vector<16xf32>,
      %swap3A_117 = arith.index_cast %scan3A_66 : i32 to index
      %swap3A_118 = arith.constant 80 : index
      %swap3A_119 = tpu.vector_load %arg10[%swap3A_117, %swap3A_118] {strides = array<i32>} : memref<32x200xf32, #tpu.memory_space<vmem>>, vector<16xf32>,
      tpu.vector_store %arg10[%swap3A_117, %swap3A_118], %gather3A_116 {strides = array<i32>} : memref<32x200xf32, #tpu.memory_space<vmem>>, vector<16xf32>,
      %get3A_120 = arith.index_cast %scan3A_66 : i32 to index
      %get3A_121 = arith.constant 96 : index
      %get3A_122 = tpu.vector_load %arg8[%get3A_120, %get3A_121] {strides = array<i32>} : memref<32x200xi32, #tpu.memory_space<vmem>>, vector<16xi32>,
      %add3A_123 = vector.broadcast %mul3A_68 : i32 to vector<16xi32>
      %add3A_124 = arith.addi %get3A_122, %add3A_123 : vector<16xi32>
      %gather3A_125 = tpu.vector_load_idx %arg6[%add3A_124] : memref<32768xf32, #tpu.memory_space<vmem>>[vector<16xi32>], vector<16xf32>,
      %swap3A_126 = arith.index_cast %scan3A_66 : i32 to index
      %swap3A_127 = arith.constant 96 : index
      %swap3A_128 = tpu.vector_load %arg10[%swap3A_126, %swap3A_127] {strides = array<i32>} : memref<32x200xf32, #tpu.memory_space<vmem>>, vector<16xf32>,
      tpu.vector_store %arg10[%swap3A_126, %swap3A_127], %gather3A_125 {strides = array<i32>} : memref<32x200xf32, #tpu.memory_space<vmem>>, vector<16xf32>,
      %get3A_129 = arith.index_cast %scan3A_66 : i32 to index
      %get3A_130 = arith.constant 112 : index
      %get3A_131 = tpu.vector_load %arg8[%get3A_129, %get3A_130] {strides = array<i32>} : memref<32x200xi32, #tpu.memory_space<vmem>>, vector<16xi32>,
      %add3A_132 = vector.broadcast %mul3A_68 : i32 to vector<16xi32>
      %add3A_133 = arith.addi %get3A_131, %add3A_132 : vector<16xi32>
      %gather3A_134 = tpu.vector_load_idx %arg6[%add3A_133] : memref<32768xf32, #tpu.memory_space<vmem>>[vector<16xi32>], vector<16xf32>,
      %swap3A_135 = arith.index_cast %scan3A_66 : i32 to index
      %swap3A_136 = arith.constant 112 : index
      %swap3A_137 = tpu.vector_load %arg10[%swap3A_135, %swap3A_136] {strides = array<i32>} : memref<32x200xf32, #tpu.memory_space<vmem>>, vector<16xf32>,
      tpu.vector_store %arg10[%swap3A_135, %swap3A_136], %gather3A_134 {strides = array<i32>} : memref<32x200xf32, #tpu.memory_space<vmem>>, vector<16xf32>,
      %get3A_138 = arith.index_cast %scan3A_66 : i32 to index
      %get3A_139 = arith.constant 128 : index
      %get3A_140 = tpu.vector_load %arg8[%get3A_138, %get3A_139] {strides = array<i32>} : memref<32x200xi32, #tpu.memory_space<vmem>>, vector<16xi32>,
      %add3A_141 = vector.broadcast %mul3A_68 : i32 to vector<16xi32>
      %add3A_142 = arith.addi %get3A_140, %add3A_141 : vector<16xi32>
      %gather3A_143 = tpu.vector_load_idx %arg6[%add3A_142] : memref<32768xf32, #tpu.memory_space<vmem>>[vector<16xi32>], vector<16xf32>,
      %swap3A_144 = arith.index_cast %scan3A_66 : i32 to index
      %swap3A_145 = arith.constant 128 : index
      %swap3A_146 = tpu.vector_load %arg10[%swap3A_144, %swap3A_145] {strides = array<i32>} : memref<32x200xf32, #tpu.memory_space<vmem>>, vector<16xf32>,
      tpu.vector_store %arg10[%swap3A_144, %swap3A_145], %gather3A_143 {strides = array<i32>} : memref<32x200xf32, #tpu.memory_space<vmem>>, vector<16xf32>,
      %get3A_147 = arith.index_cast %scan3A_66 : i32 to index
      %get3A_148 = arith.constant 144 : index
      %get3A_149 = tpu.vector_load %arg8[%get3A_147, %get3A_148] {strides = array<i32>} : memref<32x200xi32, #tpu.memory_space<vmem>>, vector<16xi32>,
      %add3A_150 = vector.broadcast %mul3A_68 : i32 to vector<16xi32>
      %add3A_151 = arith.addi %get3A_149, %add3A_150 : vector<16xi32>
      %gather3A_152 = tpu.vector_load_idx %arg6[%add3A_151] : memref<32768xf32, #tpu.memory_space<vmem>>[vector<16xi32>], vector<16xf32>,
      %swap3A_153 = arith.index_cast %scan3A_66 : i32 to index
      %swap3A_154 = arith.constant 144 : index
      %swap3A_155 = tpu.vector_load %arg10[%swap3A_153, %swap3A_154] {strides = array<i32>} : memref<32x200xf32, #tpu.memory_space<vmem>>, vector<16xf32>,
      tpu.vector_store %arg10[%swap3A_153, %swap3A_154], %gather3A_152 {strides = array<i32>} : memref<32x200xf32, #tpu.memory_space<vmem>>, vector<16xf32>,
      %get3A_156 = arith.index_cast %scan3A_66 : i32 to index
      %get3A_157 = arith.constant 160 : index
      %get3A_158 = tpu.vector_load %arg8[%get3A_156, %get3A_157] {strides = array<i32>} : memref<32x200xi32, #tpu.memory_space<vmem>>, vector<16xi32>,
      %add3A_159 = vector.broadcast %mul3A_68 : i32 to vector<16xi32>
      %add3A_160 = arith.addi %get3A_158, %add3A_159 : vector<16xi32>
      %gather3A_161 = tpu.vector_load_idx %arg6[%add3A_160] : memref<32768xf32, #tpu.memory_space<vmem>>[vector<16xi32>], vector<16xf32>,
      %swap3A_162 = arith.index_cast %scan3A_66 : i32 to index
      %swap3A_163 = arith.constant 160 : index
      %swap3A_164 = tpu.vector_load %arg10[%swap3A_162, %swap3A_163] {strides = array<i32>} : memref<32x200xf32, #tpu.memory_space<vmem>>, vector<16xf32>,
      tpu.vector_store %arg10[%swap3A_162, %swap3A_163], %gather3A_161 {strides = array<i32>} : memref<32x200xf32, #tpu.memory_space<vmem>>, vector<16xf32>,
      %get3A_165 = arith.index_cast %scan3A_66 : i32 to index
      %get3A_166 = arith.constant 176 : index
      %get3A_167 = tpu.vector_load %arg8[%get3A_165, %get3A_166] {strides = array<i32>} : memref<32x200xi32, #tpu.memory_space<vmem>>, vector<16xi32>,
      %add3A_168 = vector.broadcast %mul3A_68 : i32 to vector<16xi32>
      %add3A_169 = arith.addi %get3A_167, %add3A_168 : vector<16xi32>
      %gather3A_170 = tpu.vector_load_idx %arg6[%add3A_169] : memref<32768xf32, #tpu.memory_space<vmem>>[vector<16xi32>], vector<16xf32>,
      %swap3A_171 = arith.index_cast %scan3A_66 : i32 to index
      %swap3A_172 = arith.constant 176 : index
      %swap3A_173 = tpu.vector_load %arg10[%swap3A_171, %swap3A_172] {strides = array<i32>} : memref<32x200xf32, #tpu.memory_space<vmem>>, vector<16xf32>,
      tpu.vector_store %arg10[%swap3A_171, %swap3A_172], %gather3A_170 {strides = array<i32>} : memref<32x200xf32, #tpu.memory_space<vmem>>, vector<16xf32>,
      %get3A_174 = arith.index_cast %scan3A_66 : i32 to index
      %get3A_175 = arith.constant 184 : index
      %get3A_176 = tpu.vector_load %arg8[%get3A_174, %get3A_175] {strides = array<i32>} : memref<32x200xi32, #tpu.memory_space<vmem>>, vector<16xi32>,
      %add3A_177 = vector.broadcast %mul3A_68 : i32 to vector<16xi32>
      %add3A_178 = arith.addi %get3A_176, %add3A_177 : vector<16xi32>
      %gather3A_179 = tpu.vector_load_idx %arg6[%add3A_178] : memref<32768xf32, #tpu.memory_space<vmem>>[vector<16xi32>], vector<16xf32>,
      %swap3A_180 = arith.index_cast %scan3A_66 : i32 to index
      %swap3A_181 = arith.constant 184 : index
      %swap3A_182 = tpu.vector_load %arg10[%swap3A_180, %swap3A_181] {strides = array<i32>} : memref<32x200xf32, #tpu.memory_space<vmem>>, vector<16xf32>,
      tpu.vector_store %arg10[%swap3A_180, %swap3A_181], %gather3A_179 {strides = array<i32>} : memref<32x200xf32, #tpu.memory_space<vmem>>, vector<16xf32>,
    }
    %scan3A_51 = arith.constant 32 : i32
    %add3A_52 = arith.constant 32 : i32
    %add3A_53 = arith.addi %mul3A_2, %add3A_52 : i32
    %dma_start3A_54 = arith.constant 0 : i32
    %dma_start3A_55 = tpu.memref_slice %arg4[%add3A_53, %dma_start3A_54] : memref<2048x200xf32, #tpu.memory_space<hbm>> -> memref<32x200xf32, #tpu.memory_space<hbm>>
    %dma_start3A_56 = arith.constant 0 : i32
    %dma_start3A_57 = tpu.memref_slice %arg4[%add3A_53, %dma_start3A_56] : memref<2048x200xf32, #tpu.memory_space<hbm>> -> memref<32x200xf32, #tpu.memory_space<hbm>>
    tpu.enqueue_dma source(%arg10 : memref<32x200xf32, #tpu.memory_space<vmem>>) target(%dma_start3A_57 : memref<32x200xf32, #tpu.memory_space<hbm>>) target_semaphore(%arg16 : memref<!tpu.dma_semaphore, #tpu.memory_space<semaphore_mem>>)
    %dma_wait3A_58 = arith.constant 0 : i32
    %dma_wait3A_59 = tpu.memref_slice %arg4[%add3A_36, %dma_wait3A_58] : memref<2048x200xf32, #tpu.memory_space<hbm>> -> memref<32x200xf32, #tpu.memory_space<hbm>>
    %dma_wait3A_60 = arith.constant 0 : i32
    %dma_wait3A_61 = tpu.memref_slice %arg4[%add3A_36, %dma_wait3A_60] : memref<2048x200xf32, #tpu.memory_space<hbm>> -> memref<32x200xf32, #tpu.memory_space<hbm>>
    tpu.wait_dma2 semaphore(%arg15 : memref<!tpu.dma_semaphore, #tpu.memory_space<semaphore_mem>>) src(%arg9 : memref<32x200xf32, #tpu.memory_space<vmem>>) dst(%dma_wait3A_61 : memref<32x200xf32, #tpu.memory_space<hbm>>)
    %dma_wait3A_62 = arith.constant 0 : i32
    %dma_wait3A_63 = tpu.memref_slice %arg4[%add3A_53, %dma_wait3A_62] : memref<2048x200xf32, #tpu.memory_space<hbm>> -> memref<32x200xf32, #tpu.memory_space<hbm>>
    %dma_wait3A_64 = arith.constant 0 : i32
    %dma_wait3A_65 = tpu.memref_slice %arg4[%add3A_53, %dma_wait3A_64] : memref<2048x200xf32, #tpu.memory_space<hbm>> -> memref<32x200xf32, #tpu.memory_space<hbm>>
    tpu.wait_dma2 semaphore(%arg16 : memref<!tpu.dma_semaphore, #tpu.memory_space<semaphore_mem>>) src(%arg10 : memref<32x200xf32, #tpu.memory_space<vmem>>) dst(%dma_wait3A_65 : memref<32x200xf32, #tpu.memory_space<hbm>>)
    return
  }
}

#map = affine_map<(d0, d1) -> (0)>
#map1 = affine_map<(d0, d1) -> (0, 0)>
module attributes {stable_mosaic.version = 14 : i64} {
  func.func @_sc_gather_body(%arg0: i32, %arg1: i32, %arg2: memref<2097152xf32, #tpu.memory_space<hbm>>, %arg3: memref<4096x200xi32, #tpu.memory_space<hbm>>, %arg4: memref<2048x200xf32, #tpu.memory_space<hbm>>, %arg5: memref<32768xf32, #tpu.memory_space<vmem>>, %arg6: memref<32768xf32, #tpu.memory_space<vmem>>, %arg7: memref<32x200xi32, #tpu.memory_space<vmem>>, %arg8: memref<32x200xi32, #tpu.memory_space<vmem>>, %arg9: memref<32x200xf32, #tpu.memory_space<vmem>>, %arg10: memref<32x200xf32, #tpu.memory_space<vmem>>, %arg11: memref<!tpu.dma_semaphore, #tpu.memory_space<semaphore_mem>>, %arg12: memref<!tpu.dma_semaphore, #tpu.memory_space<semaphore_mem>>, %arg13: memref<!tpu.dma_semaphore, #tpu.memory_space<semaphore_mem>>, %arg14: memref<!tpu.dma_semaphore, #tpu.memory_space<semaphore_mem>>, %arg15: memref<!tpu.dma_semaphore, #tpu.memory_space<semaphore_mem>>, %arg16: memref<!tpu.dma_semaphore, #tpu.memory_space<semaphore_mem>>) attributes {dimension_semantics = [#tpu.dimension_semantics<core_parallel>, #tpu.dimension_semantics<subcore_parallel>], iteration_bounds = array<i64: 2, 16>, scalar_prefetch = 0 : i64, scratch_operands = 12 : i64, tpu.core_type = #tpu.core_type<sc_vector_subcore>, window_params = [{transform_indices = #map}, {transform_indices = #map1}, {transform_indices = #map1}]} {
    %mul3A = arith.constant 2 : i32
    %mul3A_0 = arith.muli %arg1, %mul3A : i32
    %add3A = arith.addi %mul3A_0, %arg0 : i32
    %mul3A_1 = arith.constant 64 : i32
    %mul3A_2 = arith.muli %add3A, %mul3A_1 : i32
    %add3A_3 = arith.constant 0 : i32
    %add3A_4 = arith.addi %mul3A_2, %add3A_3 : i32
    %mul3A_5 = arith.constant 1024 : i32
    %mul3A_6 = arith.muli %add3A_4, %mul3A_5 : i32
    %dma_start3A = tpu.memref_slice %arg2[%mul3A_6] : memref<2097152xf32, #tpu.memory_space<hbm>> -> memref<32768xf32, #tpu.memory_space<hbm>>
    %dma_start3A_7 = tpu.memref_slice %arg2[%mul3A_6] : memref<2097152xf32, #tpu.memory_space<hbm>> -> memref<32768xf32, #tpu.memory_space<hbm>>
    tpu.enqueue_dma source(%dma_start3A_7 : memref<32768xf32, #tpu.memory_space<hbm>>) target(%arg5 : memref<32768xf32, #tpu.memory_space<vmem>>) target_semaphore(%arg11 : memref<!tpu.dma_semaphore, #tpu.memory_space<semaphore_mem>>)
    %add3A_8 = arith.constant 0 : i32
    %add3A_9 = arith.addi %add3A_8, %add3A_4 : i32
    %dma_start3A_10 = arith.constant 0 : i32
    %dma_start3A_11 = tpu.memref_slice %arg3[%add3A_9, %dma_start3A_10] : memref<4096x200xi32, #tpu.memory_space<hbm>> -> memref<32x200xi32, #tpu.memory_space<hbm>>
    %dma_start3A_12 = arith.constant 0 : i32
    %dma_start3A_13 = tpu.memref_slice %arg3[%add3A_9, %dma_start3A_12] : memref<4096x200xi32, #tpu.memory_space<hbm>> -> memref<32x200xi32, #tpu.memory_space<hbm>>
    tpu.enqueue_dma source(%dma_start3A_13 : memref<32x200xi32, #tpu.memory_space<hbm>>) target(%arg7 : memref<32x200xi32, #tpu.memory_space<vmem>>) target_semaphore(%arg13 : memref<!tpu.dma_semaphore, #tpu.memory_space<semaphore_mem>>)
    %dma_wait3A = tpu.memref_slice %arg2[%mul3A_6] : memref<2097152xf32, #tpu.memory_space<hbm>> -> memref<32768xf32, #tpu.memory_space<hbm>>
    %dma_wait3A_14 = tpu.memref_slice %arg2[%mul3A_6] : memref<2097152xf32, #tpu.memory_space<hbm>> -> memref<32768xf32, #tpu.memory_space<hbm>>
    tpu.wait_dma2 semaphore(%arg11 : memref<!tpu.dma_semaphore, #tpu.memory_space<semaphore_mem>>) src(%dma_wait3A_14 : memref<32768xf32, #tpu.memory_space<hbm>>) dst(%arg5 : memref<32768xf32, #tpu.memory_space<vmem>>)
    %dma_wait3A_15 = arith.constant 0 : i32
    %dma_wait3A_16 = tpu.memref_slice %arg3[%add3A_9, %dma_wait3A_15] : memref<4096x200xi32, #tpu.memory_space<hbm>> -> memref<32x200xi32, #tpu.memory_space<hbm>>
    %dma_wait3A_17 = arith.constant 0 : i32
    %dma_wait3A_18 = tpu.memref_slice %arg3[%add3A_9, %dma_wait3A_17] : memref<4096x200xi32, #tpu.memory_space<hbm>> -> memref<32x200xi32, #tpu.memory_space<hbm>>
    tpu.wait_dma2 semaphore(%arg13 : memref<!tpu.dma_semaphore, #tpu.memory_space<semaphore_mem>>) src(%dma_wait3A_18 : memref<32x200xi32, #tpu.memory_space<hbm>>) dst(%arg7 : memref<32x200xi32, #tpu.memory_space<vmem>>)
    %add3A_19 = arith.constant 32 : i32
    %add3A_20 = arith.addi %mul3A_2, %add3A_19 : i32
    %mul3A_21 = arith.constant 1024 : i32
    %mul3A_22 = arith.muli %add3A_20, %mul3A_21 : i32
    %dma_start3A_23 = tpu.memref_slice %arg2[%mul3A_22] : memref<2097152xf32, #tpu.memory_space<hbm>> -> memref<32768xf32, #tpu.memory_space<hbm>>
    %dma_start3A_24 = tpu.memref_slice %arg2[%mul3A_22] : memref<2097152xf32, #tpu.memory_space<hbm>> -> memref<32768xf32, #tpu.memory_space<hbm>>
    tpu.enqueue_dma source(%dma_start3A_24 : memref<32768xf32, #tpu.memory_space<hbm>>) target(%arg6 : memref<32768xf32, #tpu.memory_space<vmem>>) target_semaphore(%arg12 : memref<!tpu.dma_semaphore, #tpu.memory_space<semaphore_mem>>)
    %add3A_25 = arith.constant 0 : i32
    %add3A_26 = arith.addi %add3A_25, %add3A_20 : i32
    %dma_start3A_27 = arith.constant 0 : i32
    %dma_start3A_28 = tpu.memref_slice %arg3[%add3A_26, %dma_start3A_27] : memref<4096x200xi32, #tpu.memory_space<hbm>> -> memref<32x200xi32, #tpu.memory_space<hbm>>
    %dma_start3A_29 = arith.constant 0 : i32
    %dma_start3A_30 = tpu.memref_slice %arg3[%add3A_26, %dma_start3A_29] : memref<4096x200xi32, #tpu.memory_space<hbm>> -> memref<32x200xi32, #tpu.memory_space<hbm>>
    tpu.enqueue_dma source(%dma_start3A_30 : memref<32x200xi32, #tpu.memory_space<hbm>>) target(%arg8 : memref<32x200xi32, #tpu.memory_space<vmem>>) target_semaphore(%arg14 : memref<!tpu.dma_semaphore, #tpu.memory_space<semaphore_mem>>)
    %scan3A = arith.constant 0 : i32
    %scan3A_31 = arith.constant 32 : i32
    %scan3A_32 = arith.addi %scan3A, %scan3A_31 : i32
    %scan3A_33 = arith.constant 1 : i32
    scf.for %scan3A_66 = %scan3A to %scan3A_32 step %scan3A_33  : i32 {
      %mul3A_67 = arith.constant 1024 : i32
      %mul3A_68 = arith.muli %scan3A_66, %mul3A_67 : i32
      %get3A = arith.index_cast %scan3A_66 : i32 to index
      %get3A_69 = arith.constant 0 : index
      %get3A_70 = tpu.vector_load %arg7[%get3A, %get3A_69] {strides = array<i32>} : memref<32x200xi32, #tpu.memory_space<vmem>>, vector<16xi32>,
      %add3A_71 = vector.broadcast %mul3A_68 : i32 to vector<16xi32>
      %add3A_72 = arith.addi %get3A_70, %add3A_71 : vector<16xi32>
      %gather3A = tpu.vector_load_idx %arg5[%add3A_72] : memref<32768xf32, #tpu.memory_space<vmem>>[vector<16xi32>], vector<16xf32>,
      %swap3A = arith.index_cast %scan3A_66 : i32 to index
      %swap3A_73 = arith.constant 0 : index
      %swap3A_74 = tpu.vector_load %arg9[%swap3A, %swap3A_73] {strides = array<i32>} : memref<32x200xf32, #tpu.memory_space<vmem>>, vector<16xf32>,
      tpu.vector_store %arg9[%swap3A, %swap3A_73], %gather3A {strides = array<i32>} : memref<32x200xf32, #tpu.memory_space<vmem>>, vector<16xf32>,
      %get3A_75 = arith.index_cast %scan3A_66 : i32 to index
      %get3A_76 = arith.constant 16 : index
      %get3A_77 = tpu.vector_load %arg7[%get3A_75, %get3A_76] {strides = array<i32>} : memref<32x200xi32, #tpu.memory_space<vmem>>, vector<16xi32>,
      %add3A_78 = vector.broadcast %mul3A_68 : i32 to vector<16xi32>
      %add3A_79 = arith.addi %get3A_77, %add3A_78 : vector<16xi32>
      %gather3A_80 = tpu.vector_load_idx %arg5[%add3A_79] : memref<32768xf32, #tpu.memory_space<vmem>>[vector<16xi32>], vector<16xf32>,
      %swap3A_81 = arith.index_cast %scan3A_66 : i32 to index
      %swap3A_82 = arith.constant 16 : index
      %swap3A_83 = tpu.vector_load %arg9[%swap3A_81, %swap3A_82] {strides = array<i32>} : memref<32x200xf32, #tpu.memory_space<vmem>>, vector<16xf32>,
      tpu.vector_store %arg9[%swap3A_81, %swap3A_82], %gather3A_80 {strides = array<i32>} : memref<32x200xf32, #tpu.memory_space<vmem>>, vector<16xf32>,
      %get3A_84 = arith.index_cast %scan3A_66 : i32 to index
      %get3A_85 = arith.constant 32 : index
      %get3A_86 = tpu.vector_load %arg7[%get3A_84, %get3A_85] {strides = array<i32>} : memref<32x200xi32, #tpu.memory_space<vmem>>, vector<16xi32>,
      %add3A_87 = vector.broadcast %mul3A_68 : i32 to vector<16xi32>
      %add3A_88 = arith.addi %get3A_86, %add3A_87 : vector<16xi32>
      %gather3A_89 = tpu.vector_load_idx %arg5[%add3A_88] : memref<32768xf32, #tpu.memory_space<vmem>>[vector<16xi32>], vector<16xf32>,
      %swap3A_90 = arith.index_cast %scan3A_66 : i32 to index
      %swap3A_91 = arith.constant 32 : index
      %swap3A_92 = tpu.vector_load %arg9[%swap3A_90, %swap3A_91] {strides = array<i32>} : memref<32x200xf32, #tpu.memory_space<vmem>>, vector<16xf32>,
      tpu.vector_store %arg9[%swap3A_90, %swap3A_91], %gather3A_89 {strides = array<i32>} : memref<32x200xf32, #tpu.memory_space<vmem>>, vector<16xf32>,
      %get3A_93 = arith.index_cast %scan3A_66 : i32 to index
      %get3A_94 = arith.constant 48 : index
      %get3A_95 = tpu.vector_load %arg7[%get3A_93, %get3A_94] {strides = array<i32>} : memref<32x200xi32, #tpu.memory_space<vmem>>, vector<16xi32>,
      %add3A_96 = vector.broadcast %mul3A_68 : i32 to vector<16xi32>
      %add3A_97 = arith.addi %get3A_95, %add3A_96 : vector<16xi32>
      %gather3A_98 = tpu.vector_load_idx %arg5[%add3A_97] : memref<32768xf32, #tpu.memory_space<vmem>>[vector<16xi32>], vector<16xf32>,
      %swap3A_99 = arith.index_cast %scan3A_66 : i32 to index
      %swap3A_100 = arith.constant 48 : index
      %swap3A_101 = tpu.vector_load %arg9[%swap3A_99, %swap3A_100] {strides = array<i32>} : memref<32x200xf32, #tpu.memory_space<vmem>>, vector<16xf32>,
      tpu.vector_store %arg9[%swap3A_99, %swap3A_100], %gather3A_98 {strides = array<i32>} : memref<32x200xf32, #tpu.memory_space<vmem>>, vector<16xf32>,
      %get3A_102 = arith.index_cast %scan3A_66 : i32 to index
      %get3A_103 = arith.constant 64 : index
      %get3A_104 = tpu.vector_load %arg7[%get3A_102, %get3A_103] {strides = array<i32>} : memref<32x200xi32, #tpu.memory_space<vmem>>, vector<16xi32>,
      %add3A_105 = vector.broadcast %mul3A_68 : i32 to vector<16xi32>
      %add3A_106 = arith.addi %get3A_104, %add3A_105 : vector<16xi32>
      %gather3A_107 = tpu.vector_load_idx %arg5[%add3A_106] : memref<32768xf32, #tpu.memory_space<vmem>>[vector<16xi32>], vector<16xf32>,
      %swap3A_108 = arith.index_cast %scan3A_66 : i32 to index
      %swap3A_109 = arith.constant 64 : index
      %swap3A_110 = tpu.vector_load %arg9[%swap3A_108, %swap3A_109] {strides = array<i32>} : memref<32x200xf32, #tpu.memory_space<vmem>>, vector<16xf32>,
      tpu.vector_store %arg9[%swap3A_108, %swap3A_109], %gather3A_107 {strides = array<i32>} : memref<32x200xf32, #tpu.memory_space<vmem>>, vector<16xf32>,
      %get3A_111 = arith.index_cast %scan3A_66 : i32 to index
      %get3A_112 = arith.constant 80 : index
      %get3A_113 = tpu.vector_load %arg7[%get3A_111, %get3A_112] {strides = array<i32>} : memref<32x200xi32, #tpu.memory_space<vmem>>, vector<16xi32>,
      %add3A_114 = vector.broadcast %mul3A_68 : i32 to vector<16xi32>
      %add3A_115 = arith.addi %get3A_113, %add3A_114 : vector<16xi32>
      %gather3A_116 = tpu.vector_load_idx %arg5[%add3A_115] : memref<32768xf32, #tpu.memory_space<vmem>>[vector<16xi32>], vector<16xf32>,
      %swap3A_117 = arith.index_cast %scan3A_66 : i32 to index
      %swap3A_118 = arith.constant 80 : index
      %swap3A_119 = tpu.vector_load %arg9[%swap3A_117, %swap3A_118] {strides = array<i32>} : memref<32x200xf32, #tpu.memory_space<vmem>>, vector<16xf32>,
      tpu.vector_store %arg9[%swap3A_117, %swap3A_118], %gather3A_116 {strides = array<i32>} : memref<32x200xf32, #tpu.memory_space<vmem>>, vector<16xf32>,
      %get3A_120 = arith.index_cast %scan3A_66 : i32 to index
      %get3A_121 = arith.constant 96 : index
      %get3A_122 = tpu.vector_load %arg7[%get3A_120, %get3A_121] {strides = array<i32>} : memref<32x200xi32, #tpu.memory_space<vmem>>, vector<16xi32>,
      %add3A_123 = vector.broadcast %mul3A_68 : i32 to vector<16xi32>
      %add3A_124 = arith.addi %get3A_122, %add3A_123 : vector<16xi32>
      %gather3A_125 = tpu.vector_load_idx %arg5[%add3A_124] : memref<32768xf32, #tpu.memory_space<vmem>>[vector<16xi32>], vector<16xf32>,
      %swap3A_126 = arith.index_cast %scan3A_66 : i32 to index
      %swap3A_127 = arith.constant 96 : index
      %swap3A_128 = tpu.vector_load %arg9[%swap3A_126, %swap3A_127] {strides = array<i32>} : memref<32x200xf32, #tpu.memory_space<vmem>>, vector<16xf32>,
      tpu.vector_store %arg9[%swap3A_126, %swap3A_127], %gather3A_125 {strides = array<i32>} : memref<32x200xf32, #tpu.memory_space<vmem>>, vector<16xf32>,
      %get3A_129 = arith.index_cast %scan3A_66 : i32 to index
      %get3A_130 = arith.constant 112 : index
      %get3A_131 = tpu.vector_load %arg7[%get3A_129, %get3A_130] {strides = array<i32>} : memref<32x200xi32, #tpu.memory_space<vmem>>, vector<16xi32>,
      %add3A_132 = vector.broadcast %mul3A_68 : i32 to vector<16xi32>
      %add3A_133 = arith.addi %get3A_131, %add3A_132 : vector<16xi32>
      %gather3A_134 = tpu.vector_load_idx %arg5[%add3A_133] : memref<32768xf32, #tpu.memory_space<vmem>>[vector<16xi32>], vector<16xf32>,
      %swap3A_135 = arith.index_cast %scan3A_66 : i32 to index
      %swap3A_136 = arith.constant 112 : index
      %swap3A_137 = tpu.vector_load %arg9[%swap3A_135, %swap3A_136] {strides = array<i32>} : memref<32x200xf32, #tpu.memory_space<vmem>>, vector<16xf32>,
      tpu.vector_store %arg9[%swap3A_135, %swap3A_136], %gather3A_134 {strides = array<i32>} : memref<32x200xf32, #tpu.memory_space<vmem>>, vector<16xf32>,
      %get3A_138 = arith.index_cast %scan3A_66 : i32 to index
      %get3A_139 = arith.constant 128 : index
      %get3A_140 = tpu.vector_load %arg7[%get3A_138, %get3A_139] {strides = array<i32>} : memref<32x200xi32, #tpu.memory_space<vmem>>, vector<16xi32>,
      %add3A_141 = vector.broadcast %mul3A_68 : i32 to vector<16xi32>
      %add3A_142 = arith.addi %get3A_140, %add3A_141 : vector<16xi32>
      %gather3A_143 = tpu.vector_load_idx %arg5[%add3A_142] : memref<32768xf32, #tpu.memory_space<vmem>>[vector<16xi32>], vector<16xf32>,
      %swap3A_144 = arith.index_cast %scan3A_66 : i32 to index
      %swap3A_145 = arith.constant 128 : index
      %swap3A_146 = tpu.vector_load %arg9[%swap3A_144, %swap3A_145] {strides = array<i32>} : memref<32x200xf32, #tpu.memory_space<vmem>>, vector<16xf32>,
      tpu.vector_store %arg9[%swap3A_144, %swap3A_145], %gather3A_143 {strides = array<i32>} : memref<32x200xf32, #tpu.memory_space<vmem>>, vector<16xf32>,
      %get3A_147 = arith.index_cast %scan3A_66 : i32 to index
      %get3A_148 = arith.constant 144 : index
      %get3A_149 = tpu.vector_load %arg7[%get3A_147, %get3A_148] {strides = array<i32>} : memref<32x200xi32, #tpu.memory_space<vmem>>, vector<16xi32>,
      %add3A_150 = vector.broadcast %mul3A_68 : i32 to vector<16xi32>
      %add3A_151 = arith.addi %get3A_149, %add3A_150 : vector<16xi32>
      %gather3A_152 = tpu.vector_load_idx %arg5[%add3A_151] : memref<32768xf32, #tpu.memory_space<vmem>>[vector<16xi32>], vector<16xf32>,
      %swap3A_153 = arith.index_cast %scan3A_66 : i32 to index
      %swap3A_154 = arith.constant 144 : index
      %swap3A_155 = tpu.vector_load %arg9[%swap3A_153, %swap3A_154] {strides = array<i32>} : memref<32x200xf32, #tpu.memory_space<vmem>>, vector<16xf32>,
      tpu.vector_store %arg9[%swap3A_153, %swap3A_154], %gather3A_152 {strides = array<i32>} : memref<32x200xf32, #tpu.memory_space<vmem>>, vector<16xf32>,
      %get3A_156 = arith.index_cast %scan3A_66 : i32 to index
      %get3A_157 = arith.constant 160 : index
      %get3A_158 = tpu.vector_load %arg7[%get3A_156, %get3A_157] {strides = array<i32>} : memref<32x200xi32, #tpu.memory_space<vmem>>, vector<16xi32>,
      %add3A_159 = vector.broadcast %mul3A_68 : i32 to vector<16xi32>
      %add3A_160 = arith.addi %get3A_158, %add3A_159 : vector<16xi32>
      %gather3A_161 = tpu.vector_load_idx %arg5[%add3A_160] : memref<32768xf32, #tpu.memory_space<vmem>>[vector<16xi32>], vector<16xf32>,
      %swap3A_162 = arith.index_cast %scan3A_66 : i32 to index
      %swap3A_163 = arith.constant 160 : index
      %swap3A_164 = tpu.vector_load %arg9[%swap3A_162, %swap3A_163] {strides = array<i32>} : memref<32x200xf32, #tpu.memory_space<vmem>>, vector<16xf32>,
      tpu.vector_store %arg9[%swap3A_162, %swap3A_163], %gather3A_161 {strides = array<i32>} : memref<32x200xf32, #tpu.memory_space<vmem>>, vector<16xf32>,
      %get3A_165 = arith.index_cast %scan3A_66 : i32 to index
      %get3A_166 = arith.constant 176 : index
      %get3A_167 = tpu.vector_load %arg7[%get3A_165, %get3A_166] {strides = array<i32>} : memref<32x200xi32, #tpu.memory_space<vmem>>, vector<16xi32>,
      %add3A_168 = vector.broadcast %mul3A_68 : i32 to vector<16xi32>
      %add3A_169 = arith.addi %get3A_167, %add3A_168 : vector<16xi32>
      %gather3A_170 = tpu.vector_load_idx %arg5[%add3A_169] : memref<32768xf32, #tpu.memory_space<vmem>>[vector<16xi32>], vector<16xf32>,
      %swap3A_171 = arith.index_cast %scan3A_66 : i32 to index
      %swap3A_172 = arith.constant 176 : index
      %swap3A_173 = tpu.vector_load %arg9[%swap3A_171, %swap3A_172] {strides = array<i32>} : memref<32x200xf32, #tpu.memory_space<vmem>>, vector<16xf32>,
      tpu.vector_store %arg9[%swap3A_171, %swap3A_172], %gather3A_170 {strides = array<i32>} : memref<32x200xf32, #tpu.memory_space<vmem>>, vector<16xf32>,
      %get3A_174 = arith.index_cast %scan3A_66 : i32 to index
      %get3A_175 = arith.constant 184 : index
      %get3A_176 = tpu.vector_load %arg7[%get3A_174, %get3A_175] {strides = array<i32>} : memref<32x200xi32, #tpu.memory_space<vmem>>, vector<16xi32>,
      %add3A_177 = vector.broadcast %mul3A_68 : i32 to vector<16xi32>
      %add3A_178 = arith.addi %get3A_176, %add3A_177 : vector<16xi32>
      %gather3A_179 = tpu.vector_load_idx %arg5[%add3A_178] : memref<32768xf32, #tpu.memory_space<vmem>>[vector<16xi32>], vector<16xf32>,
      %swap3A_180 = arith.index_cast %scan3A_66 : i32 to index
      %swap3A_181 = arith.constant 184 : index
      %swap3A_182 = tpu.vector_load %arg9[%swap3A_180, %swap3A_181] {strides = array<i32>} : memref<32x200xf32, #tpu.memory_space<vmem>>, vector<16xf32>,
      tpu.vector_store %arg9[%swap3A_180, %swap3A_181], %gather3A_179 {strides = array<i32>} : memref<32x200xf32, #tpu.memory_space<vmem>>, vector<16xf32>,
    }
    %scan3A_34 = arith.constant 32 : i32
    %add3A_35 = arith.constant 0 : i32
    %add3A_36 = arith.addi %mul3A_2, %add3A_35 : i32
    %dma_start3A_37 = arith.constant 0 : i32
    %dma_start3A_38 = tpu.memref_slice %arg4[%add3A_36, %dma_start3A_37] : memref<2048x200xf32, #tpu.memory_space<hbm>> -> memref<32x200xf32, #tpu.memory_space<hbm>>
    %dma_start3A_39 = arith.constant 0 : i32
    %dma_start3A_40 = tpu.memref_slice %arg4[%add3A_36, %dma_start3A_39] : memref<2048x200xf32, #tpu.memory_space<hbm>> -> memref<32x200xf32, #tpu.memory_space<hbm>>
    tpu.enqueue_dma source(%arg9 : memref<32x200xf32, #tpu.memory_space<vmem>>) target(%dma_start3A_40 : memref<32x200xf32, #tpu.memory_space<hbm>>) target_semaphore(%arg15 : memref<!tpu.dma_semaphore, #tpu.memory_space<semaphore_mem>>)
    %dma_wait3A_41 = tpu.memref_slice %arg2[%mul3A_22] : memref<2097152xf32, #tpu.memory_space<hbm>> -> memref<32768xf32, #tpu.memory_space<hbm>>
    %dma_wait3A_42 = tpu.memref_slice %arg2[%mul3A_22] : memref<2097152xf32, #tpu.memory_space<hbm>> -> memref<32768xf32, #tpu.memory_space<hbm>>
    tpu.wait_dma2 semaphore(%arg12 : memref<!tpu.dma_semaphore, #tpu.memory_space<semaphore_mem>>) src(%dma_wait3A_42 : memref<32768xf32, #tpu.memory_space<hbm>>) dst(%arg6 : memref<32768xf32, #tpu.memory_space<vmem>>)
    %dma_wait3A_43 = arith.constant 0 : i32
    %dma_wait3A_44 = tpu.memref_slice %arg3[%add3A_26, %dma_wait3A_43] : memref<4096x200xi32, #tpu.memory_space<hbm>> -> memref<32x200xi32, #tpu.memory_space<hbm>>
    %dma_wait3A_45 = arith.constant 0 : i32
    %dma_wait3A_46 = tpu.memref_slice %arg3[%add3A_26, %dma_wait3A_45] : memref<4096x200xi32, #tpu.memory_space<hbm>> -> memref<32x200xi32, #tpu.memory_space<hbm>>
    tpu.wait_dma2 semaphore(%arg14 : memref<!tpu.dma_semaphore, #tpu.memory_space<semaphore_mem>>) src(%dma_wait3A_46 : memref<32x200xi32, #tpu.memory_space<hbm>>) dst(%arg8 : memref<32x200xi32, #tpu.memory_space<vmem>>)
    %scan3A_47 = arith.constant 0 : i32
    %scan3A_48 = arith.constant 32 : i32
    %scan3A_49 = arith.addi %scan3A_47, %scan3A_48 : i32
    %scan3A_50 = arith.constant 1 : i32
    scf.for %scan3A_66 = %scan3A_47 to %scan3A_49 step %scan3A_50  : i32 {
      %mul3A_67 = arith.constant 1024 : i32
      %mul3A_68 = arith.muli %scan3A_66, %mul3A_67 : i32
      %get3A = arith.index_cast %scan3A_66 : i32 to index
      %get3A_69 = arith.constant 0 : index
      %get3A_70 = tpu.vector_load %arg8[%get3A, %get3A_69] {strides = array<i32>} : memref<32x200xi32, #tpu.memory_space<vmem>>, vector<16xi32>,
      %add3A_71 = vector.broadcast %mul3A_68 : i32 to vector<16xi32>
      %add3A_72 = arith.addi %get3A_70, %add3A_71 : vector<16xi32>
      %gather3A = tpu.vector_load_idx %arg6[%add3A_72] : memref<32768xf32, #tpu.memory_space<vmem>>[vector<16xi32>], vector<16xf32>,
      %swap3A = arith.index_cast %scan3A_66 : i32 to index
      %swap3A_73 = arith.constant 0 : index
      %swap3A_74 = tpu.vector_load %arg10[%swap3A, %swap3A_73] {strides = array<i32>} : memref<32x200xf32, #tpu.memory_space<vmem>>, vector<16xf32>,
      tpu.vector_store %arg10[%swap3A, %swap3A_73], %gather3A {strides = array<i32>} : memref<32x200xf32, #tpu.memory_space<vmem>>, vector<16xf32>,
      %get3A_75 = arith.index_cast %scan3A_66 : i32 to index
      %get3A_76 = arith.constant 16 : index
      %get3A_77 = tpu.vector_load %arg8[%get3A_75, %get3A_76] {strides = array<i32>} : memref<32x200xi32, #tpu.memory_space<vmem>>, vector<16xi32>,
      %add3A_78 = vector.broadcast %mul3A_68 : i32 to vector<16xi32>
      %add3A_79 = arith.addi %get3A_77, %add3A_78 : vector<16xi32>
      %gather3A_80 = tpu.vector_load_idx %arg6[%add3A_79] : memref<32768xf32, #tpu.memory_space<vmem>>[vector<16xi32>], vector<16xf32>,
      %swap3A_81 = arith.index_cast %scan3A_66 : i32 to index
      %swap3A_82 = arith.constant 16 : index
      %swap3A_83 = tpu.vector_load %arg10[%swap3A_81, %swap3A_82] {strides = array<i32>} : memref<32x200xf32, #tpu.memory_space<vmem>>, vector<16xf32>,
      tpu.vector_store %arg10[%swap3A_81, %swap3A_82], %gather3A_80 {strides = array<i32>} : memref<32x200xf32, #tpu.memory_space<vmem>>, vector<16xf32>,
      %get3A_84 = arith.index_cast %scan3A_66 : i32 to index
      %get3A_85 = arith.constant 32 : index
      %get3A_86 = tpu.vector_load %arg8[%get3A_84, %get3A_85] {strides = array<i32>} : memref<32x200xi32, #tpu.memory_space<vmem>>, vector<16xi32>,
      %add3A_87 = vector.broadcast %mul3A_68 : i32 to vector<16xi32>
      %add3A_88 = arith.addi %get3A_86, %add3A_87 : vector<16xi32>
      %gather3A_89 = tpu.vector_load_idx %arg6[%add3A_88] : memref<32768xf32, #tpu.memory_space<vmem>>[vector<16xi32>], vector<16xf32>,
      %swap3A_90 = arith.index_cast %scan3A_66 : i32 to index
      %swap3A_91 = arith.constant 32 : index
      %swap3A_92 = tpu.vector_load %arg10[%swap3A_90, %swap3A_91] {strides = array<i32>} : memref<32x200xf32, #tpu.memory_space<vmem>>, vector<16xf32>,
      tpu.vector_store %arg10[%swap3A_90, %swap3A_91], %gather3A_89 {strides = array<i32>} : memref<32x200xf32, #tpu.memory_space<vmem>>, vector<16xf32>,
      %get3A_93 = arith.index_cast %scan3A_66 : i32 to index
      %get3A_94 = arith.constant 48 : index
      %get3A_95 = tpu.vector_load %arg8[%get3A_93, %get3A_94] {strides = array<i32>} : memref<32x200xi32, #tpu.memory_space<vmem>>, vector<16xi32>,
      %add3A_96 = vector.broadcast %mul3A_68 : i32 to vector<16xi32>
      %add3A_97 = arith.addi %get3A_95, %add3A_96 : vector<16xi32>
      %gather3A_98 = tpu.vector_load_idx %arg6[%add3A_97] : memref<32768xf32, #tpu.memory_space<vmem>>[vector<16xi32>], vector<16xf32>,
      %swap3A_99 = arith.index_cast %scan3A_66 : i32 to index
      %swap3A_100 = arith.constant 48 : index
      %swap3A_101 = tpu.vector_load %arg10[%swap3A_99, %swap3A_100] {strides = array<i32>} : memref<32x200xf32, #tpu.memory_space<vmem>>, vector<16xf32>,
      tpu.vector_store %arg10[%swap3A_99, %swap3A_100], %gather3A_98 {strides = array<i32>} : memref<32x200xf32, #tpu.memory_space<vmem>>, vector<16xf32>,
      %get3A_102 = arith.index_cast %scan3A_66 : i32 to index
      %get3A_103 = arith.constant 64 : index
      %get3A_104 = tpu.vector_load %arg8[%get3A_102, %get3A_103] {strides = array<i32>} : memref<32x200xi32, #tpu.memory_space<vmem>>, vector<16xi32>,
      %add3A_105 = vector.broadcast %mul3A_68 : i32 to vector<16xi32>
      %add3A_106 = arith.addi %get3A_104, %add3A_105 : vector<16xi32>
      %gather3A_107 = tpu.vector_load_idx %arg6[%add3A_106] : memref<32768xf32, #tpu.memory_space<vmem>>[vector<16xi32>], vector<16xf32>,
      %swap3A_108 = arith.index_cast %scan3A_66 : i32 to index
      %swap3A_109 = arith.constant 64 : index
      %swap3A_110 = tpu.vector_load %arg10[%swap3A_108, %swap3A_109] {strides = array<i32>} : memref<32x200xf32, #tpu.memory_space<vmem>>, vector<16xf32>,
      tpu.vector_store %arg10[%swap3A_108, %swap3A_109], %gather3A_107 {strides = array<i32>} : memref<32x200xf32, #tpu.memory_space<vmem>>, vector<16xf32>,
      %get3A_111 = arith.index_cast %scan3A_66 : i32 to index
      %get3A_112 = arith.constant 80 : index
      %get3A_113 = tpu.vector_load %arg8[%get3A_111, %get3A_112] {strides = array<i32>} : memref<32x200xi32, #tpu.memory_space<vmem>>, vector<16xi32>,
      %add3A_114 = vector.broadcast %mul3A_68 : i32 to vector<16xi32>
      %add3A_115 = arith.addi %get3A_113, %add3A_114 : vector<16xi32>
      %gather3A_116 = tpu.vector_load_idx %arg6[%add3A_115] : memref<32768xf32, #tpu.memory_space<vmem>>[vector<16xi32>], vector<16xf32>,
      %swap3A_117 = arith.index_cast %scan3A_66 : i32 to index
      %swap3A_118 = arith.constant 80 : index
      %swap3A_119 = tpu.vector_load %arg10[%swap3A_117, %swap3A_118] {strides = array<i32>} : memref<32x200xf32, #tpu.memory_space<vmem>>, vector<16xf32>,
      tpu.vector_store %arg10[%swap3A_117, %swap3A_118], %gather3A_116 {strides = array<i32>} : memref<32x200xf32, #tpu.memory_space<vmem>>, vector<16xf32>,
      %get3A_120 = arith.index_cast %scan3A_66 : i32 to index
      %get3A_121 = arith.constant 96 : index
      %get3A_122 = tpu.vector_load %arg8[%get3A_120, %get3A_121] {strides = array<i32>} : memref<32x200xi32, #tpu.memory_space<vmem>>, vector<16xi32>,
      %add3A_123 = vector.broadcast %mul3A_68 : i32 to vector<16xi32>
      %add3A_124 = arith.addi %get3A_122, %add3A_123 : vector<16xi32>
      %gather3A_125 = tpu.vector_load_idx %arg6[%add3A_124] : memref<32768xf32, #tpu.memory_space<vmem>>[vector<16xi32>], vector<16xf32>,
      %swap3A_126 = arith.index_cast %scan3A_66 : i32 to index
      %swap3A_127 = arith.constant 96 : index
      %swap3A_128 = tpu.vector_load %arg10[%swap3A_126, %swap3A_127] {strides = array<i32>} : memref<32x200xf32, #tpu.memory_space<vmem>>, vector<16xf32>,
      tpu.vector_store %arg10[%swap3A_126, %swap3A_127], %gather3A_125 {strides = array<i32>} : memref<32x200xf32, #tpu.memory_space<vmem>>, vector<16xf32>,
      %get3A_129 = arith.index_cast %scan3A_66 : i32 to index
      %get3A_130 = arith.constant 112 : index
      %get3A_131 = tpu.vector_load %arg8[%get3A_129, %get3A_130] {strides = array<i32>} : memref<32x200xi32, #tpu.memory_space<vmem>>, vector<16xi32>,
      %add3A_132 = vector.broadcast %mul3A_68 : i32 to vector<16xi32>
      %add3A_133 = arith.addi %get3A_131, %add3A_132 : vector<16xi32>
      %gather3A_134 = tpu.vector_load_idx %arg6[%add3A_133] : memref<32768xf32, #tpu.memory_space<vmem>>[vector<16xi32>], vector<16xf32>,
      %swap3A_135 = arith.index_cast %scan3A_66 : i32 to index
      %swap3A_136 = arith.constant 112 : index
      %swap3A_137 = tpu.vector_load %arg10[%swap3A_135, %swap3A_136] {strides = array<i32>} : memref<32x200xf32, #tpu.memory_space<vmem>>, vector<16xf32>,
      tpu.vector_store %arg10[%swap3A_135, %swap3A_136], %gather3A_134 {strides = array<i32>} : memref<32x200xf32, #tpu.memory_space<vmem>>, vector<16xf32>,
      %get3A_138 = arith.index_cast %scan3A_66 : i32 to index
      %get3A_139 = arith.constant 128 : index
      %get3A_140 = tpu.vector_load %arg8[%get3A_138, %get3A_139] {strides = array<i32>} : memref<32x200xi32, #tpu.memory_space<vmem>>, vector<16xi32>,
      %add3A_141 = vector.broadcast %mul3A_68 : i32 to vector<16xi32>
      %add3A_142 = arith.addi %get3A_140, %add3A_141 : vector<16xi32>
      %gather3A_143 = tpu.vector_load_idx %arg6[%add3A_142] : memref<32768xf32, #tpu.memory_space<vmem>>[vector<16xi32>], vector<16xf32>,
      %swap3A_144 = arith.index_cast %scan3A_66 : i32 to index
      %swap3A_145 = arith.constant 128 : index
      %swap3A_146 = tpu.vector_load %arg10[%swap3A_144, %swap3A_145] {strides = array<i32>} : memref<32x200xf32, #tpu.memory_space<vmem>>, vector<16xf32>,
      tpu.vector_store %arg10[%swap3A_144, %swap3A_145], %gather3A_143 {strides = array<i32>} : memref<32x200xf32, #tpu.memory_space<vmem>>, vector<16xf32>,
      %get3A_147 = arith.index_cast %scan3A_66 : i32 to index
      %get3A_148 = arith.constant 144 : index
      %get3A_149 = tpu.vector_load %arg8[%get3A_147, %get3A_148] {strides = array<i32>} : memref<32x200xi32, #tpu.memory_space<vmem>>, vector<16xi32>,
      %add3A_150 = vector.broadcast %mul3A_68 : i32 to vector<16xi32>
      %add3A_151 = arith.addi %get3A_149, %add3A_150 : vector<16xi32>
      %gather3A_152 = tpu.vector_load_idx %arg6[%add3A_151] : memref<32768xf32, #tpu.memory_space<vmem>>[vector<16xi32>], vector<16xf32>,
      %swap3A_153 = arith.index_cast %scan3A_66 : i32 to index
      %swap3A_154 = arith.constant 144 : index
      %swap3A_155 = tpu.vector_load %arg10[%swap3A_153, %swap3A_154] {strides = array<i32>} : memref<32x200xf32, #tpu.memory_space<vmem>>, vector<16xf32>,
      tpu.vector_store %arg10[%swap3A_153, %swap3A_154], %gather3A_152 {strides = array<i32>} : memref<32x200xf32, #tpu.memory_space<vmem>>, vector<16xf32>,
      %get3A_156 = arith.index_cast %scan3A_66 : i32 to index
      %get3A_157 = arith.constant 160 : index
      %get3A_158 = tpu.vector_load %arg8[%get3A_156, %get3A_157] {strides = array<i32>} : memref<32x200xi32, #tpu.memory_space<vmem>>, vector<16xi32>,
      %add3A_159 = vector.broadcast %mul3A_68 : i32 to vector<16xi32>
      %add3A_160 = arith.addi %get3A_158, %add3A_159 : vector<16xi32>
      %gather3A_161 = tpu.vector_load_idx %arg6[%add3A_160] : memref<32768xf32, #tpu.memory_space<vmem>>[vector<16xi32>], vector<16xf32>,
      %swap3A_162 = arith.index_cast %scan3A_66 : i32 to index
      %swap3A_163 = arith.constant 160 : index
      %swap3A_164 = tpu.vector_load %arg10[%swap3A_162, %swap3A_163] {strides = array<i32>} : memref<32x200xf32, #tpu.memory_space<vmem>>, vector<16xf32>,
      tpu.vector_store %arg10[%swap3A_162, %swap3A_163], %gather3A_161 {strides = array<i32>} : memref<32x200xf32, #tpu.memory_space<vmem>>, vector<16xf32>,
      %get3A_165 = arith.index_cast %scan3A_66 : i32 to index
      %get3A_166 = arith.constant 176 : index
      %get3A_167 = tpu.vector_load %arg8[%get3A_165, %get3A_166] {strides = array<i32>} : memref<32x200xi32, #tpu.memory_space<vmem>>, vector<16xi32>,
      %add3A_168 = vector.broadcast %mul3A_68 : i32 to vector<16xi32>
      %add3A_169 = arith.addi %get3A_167, %add3A_168 : vector<16xi32>
      %gather3A_170 = tpu.vector_load_idx %arg6[%add3A_169] : memref<32768xf32, #tpu.memory_space<vmem>>[vector<16xi32>], vector<16xf32>,
      %swap3A_171 = arith.index_cast %scan3A_66 : i32 to index
      %swap3A_172 = arith.constant 176 : index
      %swap3A_173 = tpu.vector_load %arg10[%swap3A_171, %swap3A_172] {strides = array<i32>} : memref<32x200xf32, #tpu.memory_space<vmem>>, vector<16xf32>,
      tpu.vector_store %arg10[%swap3A_171, %swap3A_172], %gather3A_170 {strides = array<i32>} : memref<32x200xf32, #tpu.memory_space<vmem>>, vector<16xf32>,
      %get3A_174 = arith.index_cast %scan3A_66 : i32 to index
      %get3A_175 = arith.constant 184 : index
      %get3A_176 = tpu.vector_load %arg8[%get3A_174, %get3A_175] {strides = array<i32>} : memref<32x200xi32, #tpu.memory_space<vmem>>, vector<16xi32>,
      %add3A_177 = vector.broadcast %mul3A_68 : i32 to vector<16xi32>
      %add3A_178 = arith.addi %get3A_176, %add3A_177 : vector<16xi32>
      %gather3A_179 = tpu.vector_load_idx %arg6[%add3A_178] : memref<32768xf32, #tpu.memory_space<vmem>>[vector<16xi32>], vector<16xf32>,
      %swap3A_180 = arith.index_cast %scan3A_66 : i32 to index
      %swap3A_181 = arith.constant 184 : index
      %swap3A_182 = tpu.vector_load %arg10[%swap3A_180, %swap3A_181] {strides = array<i32>} : memref<32x200xf32, #tpu.memory_space<vmem>>, vector<16xf32>,
      tpu.vector_store %arg10[%swap3A_180, %swap3A_181], %gather3A_179 {strides = array<i32>} : memref<32x200xf32, #tpu.memory_space<vmem>>, vector<16xf32>,
    }
    %scan3A_51 = arith.constant 32 : i32
    %add3A_52 = arith.constant 32 : i32
    %add3A_53 = arith.addi %mul3A_2, %add3A_52 : i32
    %dma_start3A_54 = arith.constant 0 : i32
    %dma_start3A_55 = tpu.memref_slice %arg4[%add3A_53, %dma_start3A_54] : memref<2048x200xf32, #tpu.memory_space<hbm>> -> memref<32x200xf32, #tpu.memory_space<hbm>>
    %dma_start3A_56 = arith.constant 0 : i32
    %dma_start3A_57 = tpu.memref_slice %arg4[%add3A_53, %dma_start3A_56] : memref<2048x200xf32, #tpu.memory_space<hbm>> -> memref<32x200xf32, #tpu.memory_space<hbm>>
    tpu.enqueue_dma source(%arg10 : memref<32x200xf32, #tpu.memory_space<vmem>>) target(%dma_start3A_57 : memref<32x200xf32, #tpu.memory_space<hbm>>) target_semaphore(%arg16 : memref<!tpu.dma_semaphore, #tpu.memory_space<semaphore_mem>>)
    %dma_wait3A_58 = arith.constant 0 : i32
    %dma_wait3A_59 = tpu.memref_slice %arg4[%add3A_36, %dma_wait3A_58] : memref<2048x200xf32, #tpu.memory_space<hbm>> -> memref<32x200xf32, #tpu.memory_space<hbm>>
    %dma_wait3A_60 = arith.constant 0 : i32
    %dma_wait3A_61 = tpu.memref_slice %arg4[%add3A_36, %dma_wait3A_60] : memref<2048x200xf32, #tpu.memory_space<hbm>> -> memref<32x200xf32, #tpu.memory_space<hbm>>
    tpu.wait_dma2 semaphore(%arg15 : memref<!tpu.dma_semaphore, #tpu.memory_space<semaphore_mem>>) src(%arg9 : memref<32x200xf32, #tpu.memory_space<vmem>>) dst(%dma_wait3A_61 : memref<32x200xf32, #tpu.memory_space<hbm>>)
    %dma_wait3A_62 = arith.constant 0 : i32
    %dma_wait3A_63 = tpu.memref_slice %arg4[%add3A_53, %dma_wait3A_62] : memref<2048x200xf32, #tpu.memory_space<hbm>> -> memref<32x200xf32, #tpu.memory_space<hbm>>
    %dma_wait3A_64 = arith.constant 0 : i32
    %dma_wait3A_65 = tpu.memref_slice %arg4[%add3A_53, %dma_wait3A_64] : memref<2048x200xf32, #tpu.memory_space<hbm>> -> memref<32x200xf32, #tpu.memory_space<hbm>>
    tpu.wait_dma2 semaphore(%arg16 : memref<!tpu.dma_semaphore, #tpu.memory_space<semaphore_mem>>) src(%arg10 : memref<32x200xf32, #tpu.memory_space<vmem>>) dst(%dma_wait3A_65 : memref<32x200xf32, #tpu.memory_space<hbm>>)
    return
  }
}

module attributes {stable_mosaic.version = 14 : i64} {
  func.func @_scores_body(%arg0: i32, %arg1: memref<512x1xi32, #tpu.memory_space<vmem>>, %arg2: memref<512x128xf32, #tpu.memory_space<vmem>>, %arg3: memref<1024x128xf32, #tpu.memory_space<vmem>>, %arg4: memref<512x128xf32, #tpu.memory_space<vmem>>, %arg5: memref<1x512xf32, #tpu.memory_space<vmem>>, %arg6: memref<1x512xf32, #tpu.memory_space<vmem>>, %arg7: memref<256x256xf32, #tpu.memory_space<vmem>>, %arg8: memref<1x256xf32, #tpu.memory_space<vmem>>, %arg9: memref<128x256xf32, #tpu.memory_space<vmem>>, %arg10: memref<1x128xf32, #tpu.memory_space<vmem>>, %arg11: memref<524288xf32, #tpu.memory_space<vmem>>) attributes {dimension_semantics = [#tpu.dimension_semantics<arbitrary>], iteration_bounds = array<i64: 4>, scalar_prefetch = 0 : i64, scratch_operands = 0 : i64, tpu.core_type = #tpu.core_type<tc>, window_params = [{transform_indices = @transform_0, window_bounds = array<i64: 512, 1>}, {transform_indices = @transform_1, window_bounds = array<i64: 512, 128>}, {transform_indices = @transform_2, window_bounds = array<i64: 1024, 128>}, {pipeline_mode = #tpu.pipeline_mode<synchronous>, transform_indices = @transform_3, window_bounds = array<i64: 512, 128>}, {pipeline_mode = #tpu.pipeline_mode<synchronous>, transform_indices = @transform_4, window_bounds = array<i64: 1, 512>}, {pipeline_mode = #tpu.pipeline_mode<synchronous>, transform_indices = @transform_5, window_bounds = array<i64: 1, 512>}, {pipeline_mode = #tpu.pipeline_mode<synchronous>, transform_indices = @transform_6, window_bounds = array<i64: 256, 256>}, {pipeline_mode = #tpu.pipeline_mode<synchronous>, transform_indices = @transform_7, window_bounds = array<i64: 1, 256>}, {pipeline_mode = #tpu.pipeline_mode<synchronous>, transform_indices = @transform_8, window_bounds = array<i64: 128, 256>}, {pipeline_mode = #tpu.pipeline_mode<synchronous>, transform_indices = @transform_9, window_bounds = array<i64: 1, 128>}, {transform_indices = @transform_10, window_bounds = array<i64: 524288>}]} {
    %get3A = arith.constant 0 : index
    %get3A_0 = arith.constant 0 : index
    %get3A_1 = vector.load %arg1[%get3A, %get3A_0] : memref<512x1xi32, #tpu.memory_space<vmem>>, vector<512x1xi32>
    %iota3A = tpu.iota {dimensions = array<i32: 1>} : vector<512x1024xi32>
    %eq3A = vector.broadcast %get3A_1 : vector<512x1xi32> to vector<512x1024xi32>
    %eq3A_2 = arith.cmpi eq, %eq3A, %iota3A : vector<512x1024xi32>
    %convert_element_type3A = arith.extui %eq3A_2 : vector<512x1024xi1> to vector<512x1024xi32>
    %convert_element_type3A_3 = arith.sitofp %convert_element_type3A : vector<512x1024xi32> to vector<512x1024xf32>
    %convert_element_type3A_4 = arith.truncf %convert_element_type3A_3 : vector<512x1024xf32> to vector<512x1024xbf16>
    %get3A_5 = arith.constant 0 : index
    %get3A_6 = arith.constant 0 : index
    %get3A_7 = vector.load %arg3[%get3A_5, %get3A_6] : memref<1024x128xf32, #tpu.memory_space<vmem>>, vector<1024x128xf32>
    %convert_element_type3A_8 = arith.truncf %get3A_7 : vector<1024x128xf32> to vector<1024x128xbf16>
    %convert_element_type3A_9 = arith.extf %convert_element_type3A_8 : vector<1024x128xbf16> to vector<1024x128xf32>
    %sub3A = arith.subf %get3A_7, %convert_element_type3A_9 : vector<1024x128xf32>
    %convert_element_type3A_10 = arith.truncf %sub3A : vector<1024x128xf32> to vector<1024x128xbf16>
    %dot_general3A = arith.constant dense<0.000000e+00> : vector<512x128xf32>
    %dot_general3A_11 = tpu.matmul %convert_element_type3A_4, %convert_element_type3A_8, %dot_general3A {dimension_numbers = #tpu.dot_dimension_numbers<[1], [0], [0], [1], [0, 0, 1, 1], [], []>, transpose_lhs_hint = false} : vector<512x1024xbf16>, vector<1024x128xbf16>, vector<512x128xf32> -> vector<512x128xf32>
    %dot_general3A_12 = arith.constant dense<0.000000e+00> : vector<512x128xf32>
    %dot_general3A_13 = tpu.matmul %convert_element_type3A_4, %convert_element_type3A_10, %dot_general3A_12 {dimension_numbers = #tpu.dot_dimension_numbers<[1], [0], [0], [1], [0, 0, 1, 1], [], []>, transpose_lhs_hint = false} : vector<512x1024xbf16>, vector<1024x128xbf16>, vector<512x128xf32> -> vector<512x128xf32>
    %add3A = arith.addf %dot_general3A_11, %dot_general3A_13 : vector<512x128xf32>
    %get3A_14 = arith.constant 0 : index
    %get3A_15 = arith.constant 0 : index
    %get3A_16 = vector.load %arg4[%get3A_14, %get3A_15] : memref<512x128xf32, #tpu.memory_space<vmem>>, vector<512x128xf32>
    %dot_general3A_17 = arith.constant dense<0.000000e+00> : vector<512x512xf32>
    %dot_general3A_18 = tpu.matmul %add3A, %get3A_16, %dot_general3A_17 {dimension_numbers = #tpu.dot_dimension_numbers<[1], [1], [0], [0], [0, 0, 1, 0], [], []>, transpose_lhs_hint = false} : vector<512x128xf32>, vector<512x128xf32>, vector<512x512xf32> -> vector<512x512xf32>
    %get3A_19 = arith.constant 0 : index
    %get3A_20 = arith.constant 0 : index
    %get3A_21 = vector.load %arg5[%get3A_19, %get3A_20] : memref<1x512xf32, #tpu.memory_space<vmem>>, vector<1x512xf32>
    %add3A_22 = vector.broadcast %get3A_21 : vector<1x512xf32> to vector<512x512xf32>
    %add3A_23 = arith.addf %dot_general3A_18, %add3A_22 : vector<512x512xf32>
    %get3A_24 = arith.constant 0 : index
    %get3A_25 = arith.constant 0 : index
    %get3A_26 = vector.load %arg6[%get3A_24, %get3A_25] : memref<1x512xf32, #tpu.memory_space<vmem>>, vector<1x512xf32>
    %add3A_27 = vector.broadcast %get3A_26 : vector<1x512xf32> to vector<512x512xf32>
    %add3A_28 = arith.addf %add3A_23, %add3A_27 : vector<512x512xf32>
    %slice3A = vector.extract_strided_slice %add3A_28 {offsets = [0, 0], sizes = [512, 128], strides = [1, 1]} : vector<512x512xf32> to vector<512x128xf32>
    %logistic3A = arith.negf %slice3A : vector<512x128xf32>
    %logistic3A_29 = math.exp %logistic3A : vector<512x128xf32>
    %logistic3A_30 = arith.constant 1.000000e+00 : f32
    %logistic3A_31 = vector.broadcast %logistic3A_30 : f32 to vector<512x128xf32>
    %logistic3A_32 = arith.addf %logistic3A_31, %logistic3A_29 : vector<512x128xf32>
    %logistic3A_33 = arith.divf %logistic3A_31, %logistic3A_32 : vector<512x128xf32>
    %slice3A_34 = vector.extract_strided_slice %add3A_28 {offsets = [0, 256], sizes = [512, 128], strides = [1, 1]} : vector<512x512xf32> to vector<512x128xf32>
    %tanh3A = math.tanh %slice3A_34 : vector<512x128xf32>
    %slice3A_35 = vector.extract_strided_slice %add3A_28 {offsets = [0, 384], sizes = [512, 128], strides = [1, 1]} : vector<512x512xf32> to vector<512x128xf32>
    %logistic3A_36 = arith.negf %slice3A_35 : vector<512x128xf32>
    %logistic3A_37 = math.exp %logistic3A_36 : vector<512x128xf32>
    %logistic3A_38 = arith.constant 1.000000e+00 : f32
    %logistic3A_39 = vector.broadcast %logistic3A_38 : f32 to vector<512x128xf32>
    %logistic3A_40 = arith.addf %logistic3A_39, %logistic3A_37 : vector<512x128xf32>
    %logistic3A_41 = arith.divf %logistic3A_39, %logistic3A_40 : vector<512x128xf32>
    %mul3A = arith.mulf %logistic3A_33, %tanh3A : vector<512x128xf32>
    %tanh3A_42 = math.tanh %mul3A : vector<512x128xf32>
    %mul3A_43 = arith.mulf %logistic3A_41, %tanh3A_42 : vector<512x128xf32>
    %eq3A_44 = arith.constant 1000 : i32
    %eq3A_45 = vector.broadcast %eq3A_44 : i32 to vector<512x1xi32>
    %eq3A_46 = arith.cmpi eq, %get3A_1, %eq3A_45 : vector<512x1xi32>
    %jit3A = arith.constant 0.000000e+00 : f32
    %broadcast_in_dim3A = vector.shape_cast %eq3A_46 : vector<512x1xi1> to vector<512x1xi1>
    %broadcast_in_dim3A_47 = vector.broadcast %broadcast_in_dim3A : vector<512x1xi1> to vector<512x128xi1>
    %broadcast_in_dim3A_48 = vector.broadcast %jit3A : f32 to vector<512x128xf32>
    %select_n3A = arith.select %broadcast_in_dim3A_47, %broadcast_in_dim3A_48, %mul3A_43 : vector<512x128xi1>, vector<512x128xf32>
    %get3A_49 = arith.constant 0 : index
    %get3A_50 = arith.constant 0 : index
    %get3A_51 = vector.load %arg2[%get3A_49, %get3A_50] : memref<512x128xf32, #tpu.memory_space<vmem>>, vector<512x128xf32>
    %concatenate3A = tpu.concatenate %select_n3A, %get3A_51 in 1 : vector<512x128xf32>, vector<512x128xf32> -> vector<512x256xf32>
    %get3A_52 = arith.constant 0 : index
    %get3A_53 = arith.constant 0 : index
    %get3A_54 = vector.load %arg7[%get3A_52, %get3A_53] : memref<256x256xf32, #tpu.memory_space<vmem>>, vector<256x256xf32>
    %dot_general3A_55 = arith.constant dense<0.000000e+00> : vector<512x256xf32>
    %dot_general3A_56 = tpu.matmul %concatenate3A, %get3A_54, %dot_general3A_55 {dimension_numbers = #tpu.dot_dimension_numbers<[1], [1], [0], [0], [0, 0, 1, 0], [], []>, transpose_lhs_hint = false} : vector<512x256xf32>, vector<256x256xf32>, vector<512x256xf32> -> vector<512x256xf32>
    %get3A_57 = arith.constant 0 : index
    %get3A_58 = arith.constant 0 : index
    %get3A_59 = vector.load %arg8[%get3A_57, %get3A_58] : memref<1x256xf32, #tpu.memory_space<vmem>>, vector<1x256xf32>
    %add3A_60 = vector.broadcast %get3A_59 : vector<1x256xf32> to vector<512x256xf32>
    %add3A_61 = arith.addf %dot_general3A_56, %add3A_60 : vector<512x256xf32>
    %max3A = arith.constant 0.000000e+00 : f32
    %max3A_62 = vector.broadcast %max3A : f32 to vector<512x256xf32>
    %max3A_63 = arith.maximumf %add3A_61, %max3A_62 : vector<512x256xf32>
    %get3A_64 = arith.constant 0 : index
    %get3A_65 = arith.constant 0 : index
    %get3A_66 = vector.load %arg9[%get3A_64, %get3A_65] : memref<128x256xf32, #tpu.memory_space<vmem>>, vector<128x256xf32>
    %dot_general3A_67 = arith.constant dense<0.000000e+00> : vector<512x128xf32>
    %dot_general3A_68 = tpu.matmul %max3A_63, %get3A_66, %dot_general3A_67 {dimension_numbers = #tpu.dot_dimension_numbers<[1], [1], [0], [0], [0, 0, 1, 0], [], []>, transpose_lhs_hint = false} : vector<512x256xf32>, vector<128x256xf32>, vector<512x128xf32> -> vector<512x128xf32>
    %get3A_69 = arith.constant 0 : index
    %get3A_70 = arith.constant 0 : index
    %get3A_71 = vector.load %arg10[%get3A_69, %get3A_70] : memref<1x128xf32, #tpu.memory_space<vmem>>, vector<1x128xf32>
    %add3A_72 = vector.broadcast %get3A_71 : vector<1x128xf32> to vector<512x128xf32>
    %add3A_73 = arith.addf %dot_general3A_68, %add3A_72 : vector<512x128xf32>
    %dot_general3A_74 = arith.constant dense<0.000000e+00> : vector<512x1024xf32>
    %dot_general3A_75 = tpu.matmul %add3A_73, %get3A_7, %dot_general3A_74 {dimension_numbers = #tpu.dot_dimension_numbers<[1], [1], [0], [0], [0, 0, 1, 0], [], []>, transpose_lhs_hint = false} : vector<512x128xf32>, vector<1024x128xf32>, vector<512x1024xf32> -> vector<512x1024xf32>
    %eq3A_76 = arith.constant 1001 : i32
    %eq3A_77 = vector.broadcast %eq3A_76 : i32 to vector<512x1024xi32>
    %eq3A_78 = arith.cmpi eq, %iota3A, %eq3A_77 : vector<512x1024xi32>
    %jit3A_79 = arith.constant -1.000000e+10 : f32
    %broadcast_in_dim3A_80 = vector.broadcast %jit3A_79 : f32 to vector<512x1024xf32>
    %select_n3A_81 = arith.select %eq3A_78, %broadcast_in_dim3A_80, %dot_general3A_75 : vector<512x1024xi1>, vector<512x1024xf32>
    %reshape3A = vector.shape_cast %select_n3A_81 : vector<512x1024xf32> to vector<524288xf32>
    %swap3A = arith.constant 0 : index
    %swap3A_82 = vector.load %arg11[%swap3A] : memref<524288xf32, #tpu.memory_space<vmem>>, vector<524288xf32>
    tpu.vector_store %arg11[%swap3A], %reshape3A {strides = array<i32>} : memref<524288xf32, #tpu.memory_space<vmem>>, vector<524288xf32>,
    return
  }
  func.func @transform_0(%arg0: i32) -> (i32, i32) {
    %add3A = arith.constant 0 : i32
    %add3A_0 = arith.addi %arg0, %add3A : i32
    %c0_i32 = arith.constant 0 : i32
    %c0_i32_1 = arith.constant 0 : i32
    return %add3A_0, %c0_i32 : i32, i32
  }
  func.func @transform_1(%arg0: i32) -> (i32, i32) {
    %add3A = arith.constant 0 : i32
    %add3A_0 = arith.addi %arg0, %add3A : i32
    %c0_i32 = arith.constant 0 : i32
    %c0_i32_1 = arith.constant 0 : i32
    return %add3A_0, %c0_i32 : i32, i32
  }
  func.func @transform_2(%arg0: i32) -> (i32, i32) {
    %c0_i32 = arith.constant 0 : i32
    %c0_i32_0 = arith.constant 0 : i32
    %c0_i32_1 = arith.constant 0 : i32
    return %c0_i32, %c0_i32_0 : i32, i32
  }
  func.func @transform_3(%arg0: i32) -> (i32, i32) {
    %c0_i32 = arith.constant 0 : i32
    %c0_i32_0 = arith.constant 0 : i32
    %c0_i32_1 = arith.constant 0 : i32
    return %c0_i32, %c0_i32_0 : i32, i32
  }
  func.func @transform_4(%arg0: i32) -> (i32, i32) {
    %c0_i32 = arith.constant 0 : i32
    %c0_i32_0 = arith.constant 0 : i32
    %c0_i32_1 = arith.constant 0 : i32
    return %c0_i32, %c0_i32_0 : i32, i32
  }
  func.func @transform_5(%arg0: i32) -> (i32, i32) {
    %c0_i32 = arith.constant 0 : i32
    %c0_i32_0 = arith.constant 0 : i32
    %c0_i32_1 = arith.constant 0 : i32
    return %c0_i32, %c0_i32_0 : i32, i32
  }
  func.func @transform_6(%arg0: i32) -> (i32, i32) {
    %c0_i32 = arith.constant 0 : i32
    %c0_i32_0 = arith.constant 0 : i32
    %c0_i32_1 = arith.constant 0 : i32
    return %c0_i32, %c0_i32_0 : i32, i32
  }
  func.func @transform_7(%arg0: i32) -> (i32, i32) {
    %c0_i32 = arith.constant 0 : i32
    %c0_i32_0 = arith.constant 0 : i32
    %c0_i32_1 = arith.constant 0 : i32
    return %c0_i32, %c0_i32_0 : i32, i32
  }
  func.func @transform_8(%arg0: i32) -> (i32, i32) {
    %c0_i32 = arith.constant 0 : i32
    %c0_i32_0 = arith.constant 0 : i32
    %c0_i32_1 = arith.constant 0 : i32
    return %c0_i32, %c0_i32_0 : i32, i32
  }
  func.func @transform_9(%arg0: i32) -> (i32, i32) {
    %c0_i32 = arith.constant 0 : i32
    %c0_i32_0 = arith.constant 0 : i32
    %c0_i32_1 = arith.constant 0 : i32
    return %c0_i32, %c0_i32_0 : i32, i32
  }
  func.func @transform_10(%arg0: i32) -> i32 {
    %c0_i32 = arith.constant 0 : i32
    return %arg0 : i32
  }
}

module attributes {stable_mosaic.version = 14 : i64} {
  func.func @_scores_body(%arg0: i32, %arg1: memref<512x1xi32, #tpu.memory_space<vmem>>, %arg2: memref<512x128xf32, #tpu.memory_space<vmem>>, %arg3: memref<1024x128xf32, #tpu.memory_space<vmem>>, %arg4: memref<512x128xf32, #tpu.memory_space<vmem>>, %arg5: memref<1x512xf32, #tpu.memory_space<vmem>>, %arg6: memref<1x512xf32, #tpu.memory_space<vmem>>, %arg7: memref<256x256xf32, #tpu.memory_space<vmem>>, %arg8: memref<1x256xf32, #tpu.memory_space<vmem>>, %arg9: memref<128x256xf32, #tpu.memory_space<vmem>>, %arg10: memref<1x128xf32, #tpu.memory_space<vmem>>, %arg11: memref<524288xf32, #tpu.memory_space<vmem>>) attributes {dimension_semantics = [#tpu.dimension_semantics<arbitrary>], iteration_bounds = array<i64: 4>, scalar_prefetch = 0 : i64, scratch_operands = 0 : i64, tpu.core_type = #tpu.core_type<tc>, window_params = [{transform_indices = @transform_0, window_bounds = array<i64: 512, 1>}, {transform_indices = @transform_1, window_bounds = array<i64: 512, 128>}, {transform_indices = @transform_2, window_bounds = array<i64: 1024, 128>}, {pipeline_mode = #tpu.pipeline_mode<synchronous>, transform_indices = @transform_3, window_bounds = array<i64: 512, 128>}, {pipeline_mode = #tpu.pipeline_mode<synchronous>, transform_indices = @transform_4, window_bounds = array<i64: 1, 512>}, {pipeline_mode = #tpu.pipeline_mode<synchronous>, transform_indices = @transform_5, window_bounds = array<i64: 1, 512>}, {pipeline_mode = #tpu.pipeline_mode<synchronous>, transform_indices = @transform_6, window_bounds = array<i64: 256, 256>}, {pipeline_mode = #tpu.pipeline_mode<synchronous>, transform_indices = @transform_7, window_bounds = array<i64: 1, 256>}, {pipeline_mode = #tpu.pipeline_mode<synchronous>, transform_indices = @transform_8, window_bounds = array<i64: 128, 256>}, {pipeline_mode = #tpu.pipeline_mode<synchronous>, transform_indices = @transform_9, window_bounds = array<i64: 1, 128>}, {transform_indices = @transform_10, window_bounds = array<i64: 524288>}]} {
    %get3A = arith.constant 0 : index
    %get3A_0 = arith.constant 0 : index
    %get3A_1 = vector.load %arg1[%get3A, %get3A_0] : memref<512x1xi32, #tpu.memory_space<vmem>>, vector<512x1xi32>
    %iota3A = tpu.iota {dimensions = array<i32: 1>} : vector<512x1024xi32>
    %eq3A = vector.broadcast %get3A_1 : vector<512x1xi32> to vector<512x1024xi32>
    %eq3A_2 = arith.cmpi eq, %eq3A, %iota3A : vector<512x1024xi32>
    %convert_element_type3A = arith.extui %eq3A_2 : vector<512x1024xi1> to vector<512x1024xi32>
    %convert_element_type3A_3 = arith.sitofp %convert_element_type3A : vector<512x1024xi32> to vector<512x1024xf32>
    %convert_element_type3A_4 = arith.truncf %convert_element_type3A_3 : vector<512x1024xf32> to vector<512x1024xbf16>
    %get3A_5 = arith.constant 0 : index
    %get3A_6 = arith.constant 0 : index
    %get3A_7 = vector.load %arg3[%get3A_5, %get3A_6] : memref<1024x128xf32, #tpu.memory_space<vmem>>, vector<1024x128xf32>
    %convert_element_type3A_8 = arith.truncf %get3A_7 : vector<1024x128xf32> to vector<1024x128xbf16>
    %convert_element_type3A_9 = arith.extf %convert_element_type3A_8 : vector<1024x128xbf16> to vector<1024x128xf32>
    %sub3A = arith.subf %get3A_7, %convert_element_type3A_9 : vector<1024x128xf32>
    %convert_element_type3A_10 = arith.truncf %sub3A : vector<1024x128xf32> to vector<1024x128xbf16>
    %dot_general3A = arith.constant dense<0.000000e+00> : vector<512x128xf32>
    %dot_general3A_11 = tpu.matmul %convert_element_type3A_4, %convert_element_type3A_8, %dot_general3A {dimension_numbers = #tpu.dot_dimension_numbers<[1], [0], [0], [1], [0, 0, 1, 1], [], []>, transpose_lhs_hint = false} : vector<512x1024xbf16>, vector<1024x128xbf16>, vector<512x128xf32> -> vector<512x128xf32>
    %dot_general3A_12 = arith.constant dense<0.000000e+00> : vector<512x128xf32>
    %dot_general3A_13 = tpu.matmul %convert_element_type3A_4, %convert_element_type3A_10, %dot_general3A_12 {dimension_numbers = #tpu.dot_dimension_numbers<[1], [0], [0], [1], [0, 0, 1, 1], [], []>, transpose_lhs_hint = false} : vector<512x1024xbf16>, vector<1024x128xbf16>, vector<512x128xf32> -> vector<512x128xf32>
    %add3A = arith.addf %dot_general3A_11, %dot_general3A_13 : vector<512x128xf32>
    %get3A_14 = arith.constant 0 : index
    %get3A_15 = arith.constant 0 : index
    %get3A_16 = vector.load %arg4[%get3A_14, %get3A_15] : memref<512x128xf32, #tpu.memory_space<vmem>>, vector<512x128xf32>
    %dot_general3A_17 = arith.constant dense<0.000000e+00> : vector<512x512xf32>
    %dot_general3A_18 = tpu.matmul %add3A, %get3A_16, %dot_general3A_17 {dimension_numbers = #tpu.dot_dimension_numbers<[1], [1], [0], [0], [0, 0, 1, 0], [], []>, transpose_lhs_hint = false} : vector<512x128xf32>, vector<512x128xf32>, vector<512x512xf32> -> vector<512x512xf32>
    %get3A_19 = arith.constant 0 : index
    %get3A_20 = arith.constant 0 : index
    %get3A_21 = vector.load %arg5[%get3A_19, %get3A_20] : memref<1x512xf32, #tpu.memory_space<vmem>>, vector<1x512xf32>
    %add3A_22 = vector.broadcast %get3A_21 : vector<1x512xf32> to vector<512x512xf32>
    %add3A_23 = arith.addf %dot_general3A_18, %add3A_22 : vector<512x512xf32>
    %get3A_24 = arith.constant 0 : index
    %get3A_25 = arith.constant 0 : index
    %get3A_26 = vector.load %arg6[%get3A_24, %get3A_25] : memref<1x512xf32, #tpu.memory_space<vmem>>, vector<1x512xf32>
    %add3A_27 = vector.broadcast %get3A_26 : vector<1x512xf32> to vector<512x512xf32>
    %add3A_28 = arith.addf %add3A_23, %add3A_27 : vector<512x512xf32>
    %slice3A = vector.extract_strided_slice %add3A_28 {offsets = [0, 0], sizes = [512, 128], strides = [1, 1]} : vector<512x512xf32> to vector<512x128xf32>
    %logistic3A = arith.negf %slice3A : vector<512x128xf32>
    %logistic3A_29 = math.exp %logistic3A : vector<512x128xf32>
    %logistic3A_30 = arith.constant 1.000000e+00 : f32
    %logistic3A_31 = vector.broadcast %logistic3A_30 : f32 to vector<512x128xf32>
    %logistic3A_32 = arith.addf %logistic3A_31, %logistic3A_29 : vector<512x128xf32>
    %logistic3A_33 = arith.divf %logistic3A_31, %logistic3A_32 : vector<512x128xf32>
    %slice3A_34 = vector.extract_strided_slice %add3A_28 {offsets = [0, 256], sizes = [512, 128], strides = [1, 1]} : vector<512x512xf32> to vector<512x128xf32>
    %tanh3A = math.tanh %slice3A_34 : vector<512x128xf32>
    %slice3A_35 = vector.extract_strided_slice %add3A_28 {offsets = [0, 384], sizes = [512, 128], strides = [1, 1]} : vector<512x512xf32> to vector<512x128xf32>
    %logistic3A_36 = arith.negf %slice3A_35 : vector<512x128xf32>
    %logistic3A_37 = math.exp %logistic3A_36 : vector<512x128xf32>
    %logistic3A_38 = arith.constant 1.000000e+00 : f32
    %logistic3A_39 = vector.broadcast %logistic3A_38 : f32 to vector<512x128xf32>
    %logistic3A_40 = arith.addf %logistic3A_39, %logistic3A_37 : vector<512x128xf32>
    %logistic3A_41 = arith.divf %logistic3A_39, %logistic3A_40 : vector<512x128xf32>
    %mul3A = arith.mulf %logistic3A_33, %tanh3A : vector<512x128xf32>
    %tanh3A_42 = math.tanh %mul3A : vector<512x128xf32>
    %mul3A_43 = arith.mulf %logistic3A_41, %tanh3A_42 : vector<512x128xf32>
    %eq3A_44 = arith.constant 1000 : i32
    %eq3A_45 = vector.broadcast %eq3A_44 : i32 to vector<512x1xi32>
    %eq3A_46 = arith.cmpi eq, %get3A_1, %eq3A_45 : vector<512x1xi32>
    %jit3A = arith.constant 0.000000e+00 : f32
    %broadcast_in_dim3A = vector.shape_cast %eq3A_46 : vector<512x1xi1> to vector<512x1xi1>
    %broadcast_in_dim3A_47 = vector.broadcast %broadcast_in_dim3A : vector<512x1xi1> to vector<512x128xi1>
    %broadcast_in_dim3A_48 = vector.broadcast %jit3A : f32 to vector<512x128xf32>
    %select_n3A = arith.select %broadcast_in_dim3A_47, %broadcast_in_dim3A_48, %mul3A_43 : vector<512x128xi1>, vector<512x128xf32>
    %get3A_49 = arith.constant 0 : index
    %get3A_50 = arith.constant 0 : index
    %get3A_51 = vector.load %arg2[%get3A_49, %get3A_50] : memref<512x128xf32, #tpu.memory_space<vmem>>, vector<512x128xf32>
    %concatenate3A = tpu.concatenate %select_n3A, %get3A_51 in 1 : vector<512x128xf32>, vector<512x128xf32> -> vector<512x256xf32>
    %get3A_52 = arith.constant 0 : index
    %get3A_53 = arith.constant 0 : index
    %get3A_54 = vector.load %arg7[%get3A_52, %get3A_53] : memref<256x256xf32, #tpu.memory_space<vmem>>, vector<256x256xf32>
    %dot_general3A_55 = arith.constant dense<0.000000e+00> : vector<512x256xf32>
    %dot_general3A_56 = tpu.matmul %concatenate3A, %get3A_54, %dot_general3A_55 {dimension_numbers = #tpu.dot_dimension_numbers<[1], [1], [0], [0], [0, 0, 1, 0], [], []>, transpose_lhs_hint = false} : vector<512x256xf32>, vector<256x256xf32>, vector<512x256xf32> -> vector<512x256xf32>
    %get3A_57 = arith.constant 0 : index
    %get3A_58 = arith.constant 0 : index
    %get3A_59 = vector.load %arg8[%get3A_57, %get3A_58] : memref<1x256xf32, #tpu.memory_space<vmem>>, vector<1x256xf32>
    %add3A_60 = vector.broadcast %get3A_59 : vector<1x256xf32> to vector<512x256xf32>
    %add3A_61 = arith.addf %dot_general3A_56, %add3A_60 : vector<512x256xf32>
    %max3A = arith.constant 0.000000e+00 : f32
    %max3A_62 = vector.broadcast %max3A : f32 to vector<512x256xf32>
    %max3A_63 = arith.maximumf %add3A_61, %max3A_62 : vector<512x256xf32>
    %get3A_64 = arith.constant 0 : index
    %get3A_65 = arith.constant 0 : index
    %get3A_66 = vector.load %arg9[%get3A_64, %get3A_65] : memref<128x256xf32, #tpu.memory_space<vmem>>, vector<128x256xf32>
    %dot_general3A_67 = arith.constant dense<0.000000e+00> : vector<512x128xf32>
    %dot_general3A_68 = tpu.matmul %max3A_63, %get3A_66, %dot_general3A_67 {dimension_numbers = #tpu.dot_dimension_numbers<[1], [1], [0], [0], [0, 0, 1, 0], [], []>, transpose_lhs_hint = false} : vector<512x256xf32>, vector<128x256xf32>, vector<512x128xf32> -> vector<512x128xf32>
    %get3A_69 = arith.constant 0 : index
    %get3A_70 = arith.constant 0 : index
    %get3A_71 = vector.load %arg10[%get3A_69, %get3A_70] : memref<1x128xf32, #tpu.memory_space<vmem>>, vector<1x128xf32>
    %add3A_72 = vector.broadcast %get3A_71 : vector<1x128xf32> to vector<512x128xf32>
    %add3A_73 = arith.addf %dot_general3A_68, %add3A_72 : vector<512x128xf32>
    %dot_general3A_74 = arith.constant dense<0.000000e+00> : vector<512x1024xf32>
    %dot_general3A_75 = tpu.matmul %add3A_73, %get3A_7, %dot_general3A_74 {dimension_numbers = #tpu.dot_dimension_numbers<[1], [1], [0], [0], [0, 0, 1, 0], [], []>, transpose_lhs_hint = false} : vector<512x128xf32>, vector<1024x128xf32>, vector<512x1024xf32> -> vector<512x1024xf32>
    %eq3A_76 = arith.constant 1001 : i32
    %eq3A_77 = vector.broadcast %eq3A_76 : i32 to vector<512x1024xi32>
    %eq3A_78 = arith.cmpi eq, %iota3A, %eq3A_77 : vector<512x1024xi32>
    %jit3A_79 = arith.constant -1.000000e+10 : f32
    %broadcast_in_dim3A_80 = vector.broadcast %jit3A_79 : f32 to vector<512x1024xf32>
    %select_n3A_81 = arith.select %eq3A_78, %broadcast_in_dim3A_80, %dot_general3A_75 : vector<512x1024xi1>, vector<512x1024xf32>
    %reshape3A = vector.shape_cast %select_n3A_81 : vector<512x1024xf32> to vector<524288xf32>
    %swap3A = arith.constant 0 : index
    %swap3A_82 = vector.load %arg11[%swap3A] : memref<524288xf32, #tpu.memory_space<vmem>>, vector<524288xf32>
    tpu.vector_store %arg11[%swap3A], %reshape3A {strides = array<i32>} : memref<524288xf32, #tpu.memory_space<vmem>>, vector<524288xf32>,
    return
  }
  func.func @transform_0(%arg0: i32) -> (i32, i32) {
    %add3A = arith.constant 4 : i32
    %add3A_0 = arith.addi %arg0, %add3A : i32
    %c0_i32 = arith.constant 0 : i32
    %c0_i32_1 = arith.constant 0 : i32
    return %add3A_0, %c0_i32 : i32, i32
  }
  func.func @transform_1(%arg0: i32) -> (i32, i32) {
    %add3A = arith.constant 4 : i32
    %add3A_0 = arith.addi %arg0, %add3A : i32
    %c0_i32 = arith.constant 0 : i32
    %c0_i32_1 = arith.constant 0 : i32
    return %add3A_0, %c0_i32 : i32, i32
  }
  func.func @transform_2(%arg0: i32) -> (i32, i32) {
    %c0_i32 = arith.constant 0 : i32
    %c0_i32_0 = arith.constant 0 : i32
    %c0_i32_1 = arith.constant 0 : i32
    return %c0_i32, %c0_i32_0 : i32, i32
  }
  func.func @transform_3(%arg0: i32) -> (i32, i32) {
    %c0_i32 = arith.constant 0 : i32
    %c0_i32_0 = arith.constant 0 : i32
    %c0_i32_1 = arith.constant 0 : i32
    return %c0_i32, %c0_i32_0 : i32, i32
  }
  func.func @transform_4(%arg0: i32) -> (i32, i32) {
    %c0_i32 = arith.constant 0 : i32
    %c0_i32_0 = arith.constant 0 : i32
    %c0_i32_1 = arith.constant 0 : i32
    return %c0_i32, %c0_i32_0 : i32, i32
  }
  func.func @transform_5(%arg0: i32) -> (i32, i32) {
    %c0_i32 = arith.constant 0 : i32
    %c0_i32_0 = arith.constant 0 : i32
    %c0_i32_1 = arith.constant 0 : i32
    return %c0_i32, %c0_i32_0 : i32, i32
  }
  func.func @transform_6(%arg0: i32) -> (i32, i32) {
    %c0_i32 = arith.constant 0 : i32
    %c0_i32_0 = arith.constant 0 : i32
    %c0_i32_1 = arith.constant 0 : i32
    return %c0_i32, %c0_i32_0 : i32, i32
  }
  func.func @transform_7(%arg0: i32) -> (i32, i32) {
    %c0_i32 = arith.constant 0 : i32
    %c0_i32_0 = arith.constant 0 : i32
    %c0_i32_1 = arith.constant 0 : i32
    return %c0_i32, %c0_i32_0 : i32, i32
  }
  func.func @transform_8(%arg0: i32) -> (i32, i32) {
    %c0_i32 = arith.constant 0 : i32
    %c0_i32_0 = arith.constant 0 : i32
    %c0_i32_1 = arith.constant 0 : i32
    return %c0_i32, %c0_i32_0 : i32, i32
  }
  func.func @transform_9(%arg0: i32) -> (i32, i32) {
    %c0_i32 = arith.constant 0 : i32
    %c0_i32_0 = arith.constant 0 : i32
    %c0_i32_1 = arith.constant 0 : i32
    return %c0_i32, %c0_i32_0 : i32, i32
  }
  func.func @transform_10(%arg0: i32) -> i32 {
    %c0_i32 = arith.constant 0 : i32
    return %arg0 : i32
  }
}

module attributes {stable_mosaic.version = 14 : i64} {
  func.func @_softmax_body(%arg0: i32, %arg1: memref<2048x200xf32, #tpu.memory_space<vmem>>, %arg2: memref<2048x200xf32, #tpu.memory_space<vmem>>) attributes {dimension_semantics = [#tpu.dimension_semantics<arbitrary>], iteration_bounds = array<i64: 1>, scalar_prefetch = 0 : i64, scratch_operands = 0 : i64, tpu.core_type = #tpu.core_type<tc>, window_params = [{transform_indices = @transform_0, window_bounds = array<i64: 2048, 200>}, {transform_indices = @transform_1, window_bounds = array<i64: 2048, 200>}]} {
    %get3A = arith.constant 0 : index
    %get3A_0 = arith.constant 0 : index
    %get3A_1 = vector.load %arg1[%get3A, %get3A_0] : memref<2048x200xf32, #tpu.memory_space<vmem>>, vector<2048x200xf32>
    %reduce_max3A = arith.constant dense<0xFF800000> : vector<2048xf32>
    %reduce_max3A_2 = vector.multi_reduction <maximumf>, %get3A_1, %reduce_max3A [1] : vector<2048x200xf32> to vector<2048xf32>
    %broadcast_in_dim3A = vector.shape_cast %reduce_max3A_2 : vector<2048xf32> to vector<2048x1xf32>
    %sub3A = vector.broadcast %broadcast_in_dim3A : vector<2048x1xf32> to vector<2048x200xf32>
    %sub3A_3 = arith.subf %get3A_1, %sub3A : vector<2048x200xf32>
    %exp3A = math.exp %sub3A_3 : vector<2048x200xf32>
    %reduce_sum3A = arith.constant dense<0.000000e+00> : vector<2048xf32>
    %reduce_sum3A_4 = vector.multi_reduction <add>, %exp3A, %reduce_sum3A [1] : vector<2048x200xf32> to vector<2048xf32>
    %broadcast_in_dim3A_5 = vector.shape_cast %reduce_sum3A_4 : vector<2048xf32> to vector<2048x1xf32>
    %log3A = math.log %broadcast_in_dim3A_5 : vector<2048x1xf32>
    %add3A = arith.addf %broadcast_in_dim3A, %log3A : vector<2048x1xf32>
    %sub3A_6 = vector.broadcast %add3A : vector<2048x1xf32> to vector<2048x200xf32>
    %sub3A_7 = arith.subf %get3A_1, %sub3A_6 : vector<2048x200xf32>
    %swap3A = arith.constant 0 : index
    %swap3A_8 = arith.constant 0 : index
    %swap3A_9 = vector.load %arg2[%swap3A, %swap3A_8] : memref<2048x200xf32, #tpu.memory_space<vmem>>, vector<2048x200xf32>
    tpu.vector_store %arg2[%swap3A, %swap3A_8], %sub3A_7 {strides = array<i32>} : memref<2048x200xf32, #tpu.memory_space<vmem>>, vector<2048x200xf32>,
    return
  }
  func.func @transform_0(%arg0: i32) -> (i32, i32) {
    %c0_i32 = arith.constant 0 : i32
    %c0_i32_0 = arith.constant 0 : i32
    return %arg0, %c0_i32 : i32, i32
  }
  func.func @transform_1(%arg0: i32) -> (i32, i32) {
    %c0_i32 = arith.constant 0 : i32
    %c0_i32_0 = arith.constant 0 : i32
    return %arg0, %c0_i32 : i32, i32
  }
}

</mosaic_0001>

<sc_bundles>
// kernel: kernel.11.cloned.1.call-start
scs
__scs_entry_jumppad:
0x0: {  	(pc) =	sbr.rel $0x88, $3  }
0x1: {  	(tag) =	ssettag $0x0;
	lr =	simm.s32 $0x1  }
0x2: {  	[smem:$0x3F96] =	sst lr;
	_ =	strace $0xD0000000  }
0x3: {  	_ = 	snop  }
0x4: {  	_ = 	snop  }
0x5: {  	_ = 	snop  }
0x6: {  	_ = 	snop  }
0x7: {  	_ = 	snop  }
__scs_overlays_trampoline_lowered:
0x8: {  	[smem:$0x3FA5] =	sst s0  }
0x9: {  	[smem:$0x3FA6] =	sst s1  }
0xa: {  	[smem:$0x3FA7] =	sst s2  }
0xb: {  	[smem:$0x3FA8] =	sst s3  }
0xc: {  	[smem:$0x3FA9] =	sst s4  }
0xd: {  	[smem:$0x3FAA] =	sst s5  }
0xe: {  	[smem:$0x3FAB] =	sst s6  }
0xf: {  	[smem:$0x3FAC] =	sst s7  }
0x10: {  	[smem:$0x3FAD] =	sst s8  }
0x11: {  	[smem:$0x3FAE] =	sst s9;
	s0 =	simm.s32 @!p0 $0x0  }
0x12: {  	s1 =	sld [smem:$0x3F94];
	s0 =	simm.s32 @p0 $0x1  }
0x13: {  	[smem:$0x3FAF] =	sst s0;
	s0 =	simm.s32 @!p1 $0x0  }
0x14: {  	s2 =	sld [smem:$0x3F93];
	s0 =	simm.s32 @p1 $0x1  }
0x15: {  	[smem:$0x3FB0] =	sst s0;
	s0 =	simm.s32 @!p2 $0x0  }
0x16: {  	s3 =	sld [smem:$0x3FDB];
	s0 =	simm.s32 @p2 $0x1  }
0x17: {  	s4 =	simm.s32 $0x1BF5;
	[smem:$0x3FB2] =	sst s0  }
0x18: {  	s0 =	sld [smem:$0x3F95];
	_ =	swait.ge [sflag:s4], $0x0  }
0x19: {  	s7 =	sld [smem:$0x3F96]  }
0x1a: {  	s8 =	sadd.s32 $0xFFFFE003, lr  }
0x1b: {  	s9 =	sadd.s32 $0xFFFFFEF7, lr;
	s5 =	simm.s32 $0xFFFFFFFF;
	p2 =	slt.u32 s8, $0xFFFFF086  }
0x1c: {  	p1 =	slt.u32 s9, $0xF7A;
	s5 =	simm.s32 @!p2 $0x0  }
0x1d: {  	s5 =	simm.s32 @p1 $0x1;
	p0 =	seq.s32 s7, s2  }
0x1e: {  	s7 =	smul.u32 @!p0 $0xF7A, s2;
	p2 =	seq.s32 @!p0 s5, $0x0  }
0x1f: {  	s9 =	smul.u32 $0xF7A, s1;
	s8 =	simm.s32 @!p0 $0x1BF5;
	p2 =	por !p2, p0  }
0x20: {  	[sflag:s8] =	ssyncset.s32 @!p0 $0xFFFFF086;
	s6 =	sadd.s32 @!p0 s3, s7;
	s7 =	simm.s32 @!p0 $0x108  }
0x21: {  	s3 =	sadd.s32 s3, s9;
	s6 =	sadd.s32 @!p0 $0x88, s6;
	s7 =	simm.s32 @p2 $0x1082  }
0x22: {  	[simem:s7], [sflag:s8] =	dma.local @!p0 [hbm:s6], $0xF7A  }
0x23: {  	s9 =	sor.u32 $0xD0000000, s2;
	s6 =	simm.s32 $0x108;
	_ =	swait.ge @!p0 [sflag:s8], $0x0  }
0x24: {  	s3 =	sadd.s32 $0x88, s3;
	s6 =	simm.s32 @!p1 $0x1082;
	[sflag:s4] =	ssyncset.s32 $0xFFFFF086  }
0x25: {  	[simem:s6], [sflag:s4] =	dma.local [hbm:s3], $0xF7A  }
0x26: {  	[smem:$0x3F96] =	sst s1;
	(tag) =	ssettag s2;
	_ =	strace s9  }
0x27: {  	s1 =	sld [smem:$0x3FA6]  }
0x28: {  	s2 =	sld [smem:$0x3FA7]  }
0x29: {  	s4 =	sld [smem:$0x3FA9]  }
0x2a: {  	p0 =	seq.s32 s5, $0x0;
	s5 =	sld [smem:$0x3FAA]  }
0x2b: {  	s6 =	sld [smem:$0x3FAB]  }
0x2c: {  	s7 =	sld [smem:$0x3FAC]  }
0x2d: {  	s3 =	simm.s32 $0x108;
	s8 =	sld [smem:$0x3FAD]  }
0x2e: {  	s3 =	simm.s32 @!p0 $0x1082;
	s9 =	sld [smem:$0x3FAE]  }
0x2f: {  	lr =	sadd.s32 s0, s3;
	s0 =	sld [smem:$0x3FA5]  }
0x30: {  	s3 =	sld [smem:$0x3FA8]  }
0x31: {  	[smem:$0x3FB1] =	sst s10  }
0x32: {  	s10 =	sld [smem:$0x3FAF];
	_ =	sdelay $0x3  }
0x33: {  	p0 =	seq.s32 s10, $0x1;
	s10 =	sld [smem:$0x3FB1];
	_ =	sdelay $0x3  }
0x34: {  	[smem:$0x3FB1] =	sst s10  }
0x35: {  	s10 =	sld [smem:$0x3FB0];
	_ =	sdelay $0x3  }
0x36: {  	p1 =	seq.s32 s10, $0x1;
	s10 =	sld [smem:$0x3FB1];
	_ =	sdelay $0x3  }
0x37: {  	[smem:$0x3FB1] =	sst s10  }
0x38: {  	s10 =	sld [smem:$0x3FB2]  }
0x39: {  	_ = 	snop;
	(pc) =	sbr.ind lr, $3  }
0x3a: {  	_ = 	snop  }
0x3b: {  	_ = 	snop  }
0x3c: {  	p2 =	seq.s32 s10, $0x1;
	s10 =	sld [smem:$0x3FB1]  }
0x3d: {  	_ =	shalt  }
0x3e: {  	_ =	shalt  }
0x3f: {  	_ =	shalt  }
0x40: {  	_ =	shalt  }
0x41: {  	_ =	shalt  }
0x42: {  	_ =	shalt  }
0x43: {  	_ =	shalt  }
0x44: {  	_ =	shalt  }
0x45: {  	_ =	shalt  }
0x46: {  	_ =	shalt  }
0x47: {  	_ =	shalt  }
0x48: {  	_ =	shalt  }
0x49: {  	_ =	shalt  }
0x4a: {  	_ =	shalt  }
0x4b: {  	_ =	shalt  }
0x4c: {  	_ =	shalt  }
0x4d: {  	_ =	shalt  }
0x4e: {  	_ =	shalt  }
0x4f: {  	_ =	shalt  }
0x50: {  	_ =	shalt  }
0x51: {  	_ =	shalt  }
0x52: {  	_ =	shalt  }
0x53: {  	_ =	shalt  }
0x54: {  	_ =	shalt  }
0x55: {  	_ =	shalt  }
0x56: {  	_ =	shalt  }
0x57: {  	_ =	shalt  }
0x58: {  	_ =	shalt  }
0x59: {  	_ =	shalt  }
0x5a: {  	_ =	shalt  }
0x5b: {  	_ =	shalt  }
0x5c: {  	_ =	shalt  }
0x5d: {  	_ =	shalt  }
0x5e: {  	_ =	shalt  }
0x5f: {  	_ =	shalt  }
0x60: {  	_ =	shalt  }
0x61: {  	_ =	shalt  }
0x62: {  	_ =	shalt  }
0x63: {  	_ =	shalt  }
0x64: {  	_ =	shalt  }
0x65: {  	_ =	shalt  }
0x66: {  	_ =	shalt  }
0x67: {  	_ =	shalt  }
0x68: {  	_ =	shalt  }
0x69: {  	_ =	shalt  }
0x6a: {  	_ =	shalt  }
0x6b: {  	_ =	shalt  }
0x6c: {  	_ =	shalt  }
0x6d: {  	_ =	shalt  }
0x6e: {  	_ =	shalt  }
0x6f: {  	_ =	shalt  }
0x70: {  	_ =	shalt  }
0x71: {  	_ =	shalt  }
0x72: {  	_ =	shalt  }
0x73: {  	_ =	shalt  }
0x74: {  	_ =	shalt  }
0x75: {  	_ =	shalt  }
0x76: {  	_ =	shalt  }
0x77: {  	_ =	shalt  }
0x78: {  	_ =	shalt  }
0x79: {  	_ =	shalt  }
0x7a: {  	_ =	shalt  }
0x7b: {  	_ =	shalt  }
0x7c: {  	_ =	shalt  }
0x7d: {  	_ =	shalt  }
0x7e: {  	_ =	shalt  }
0x7f: {  	_ =	shalt  }
0x80: {  	_ =	shalt  }
0x81: {  	_ =	shalt  }
0x82: {  	_ =	shalt  }
0x83: {  	_ =	shalt  }
0x84: {  	_ =	shalt  }
0x85: {  	_ =	shalt  }
0x86: {  	_ =	shalt  }
0x87: {  	_ =	shalt  }
.Lfunc_end0:
.L_simem_size_0:
called_computation.1_lowered:
.L_overlay_start_0:
0x88: {  	s2 =	sld [smem:$0x3FD9]  }
0x89: {  	s3 =	sld [smem:$0x3FFE];
	_ =	sdelay $0x1  }
0x8a: {  	s1 =	srdreg.scid  }
0x8b: {  	s0 =	sand.u32 $0x1, s1  }
0x8c: {  	s16 =	sshll.u32 s0, $0xA;
	s2 =	sadd.s32 s3, s2  }
0x8d: {  	s2 =	sadd.s32 s2, s16  }
0x8e: {  	[smem:$0x3FBD] =	sst s2  }
0x8f: {  	_ = 	snop  }
0x90: {  	(tm) =	ssettm $0x1  }
0x91: {  	s17 =	sld [smem:$0x3FFB];
	_ =	sdelay $0x3  }
0x92: {  	_ =	strace s17  }
0x93: {  	s2 =	sld [smem:$0x3FFC];
	_ =	sdelay $0x3  }
0x94: {  	_ =	strace s2  }
0x95: {  	s2 =	sld [smem:$0x3FFD];
	_ =	sdelay $0x3  }
0x96: {  	_ =	strace s2  }
0x97: {  	_ =	strace $0x8FFFFFFF  }
0x98: {  	s18 =	sld [smem:$0x3FDB];
	_ =	sdelay $0x1  }
0x99: {  	s19 =	simm.s32 $_scs_section_size  }
0x9a: {  	s4 =	simm.s32 $_size__tile_overlayer_lowered;
	s5 =	simm.s32 $_tile_overlayer_lowered  }
0x9b: {  	s22 =	simm.s32 $0x1BFF;
	s21 =	sshll.u32 s5, $0x1;
	s2 =	sadd.s32 s19, s18  }
0x9c: {  	s6 =	simm.s32 $0x0;
	s20 =	sshll.u32 s4, $0x1;
	s4 =	sadd.s32 s21, s2  }
0x9d: {  	[timem:s6], [sflag:s22] =	dma.local [hbm:s4], s20  }
0x9e: {  	_ =	swait.ge [sflag:s22], s20  }
0x9f: {  	s3 =	ssub.s32 $0x0, s20;
	[sflag:s22] =	ssyncset.done $0x0  }
0xa0: {  	[sflag:s22] =	ssyncadd.s32 s3;
	_ =	sdelay $0x1  }
0xa1: {  	s23 =	simm.s32 $0x1B8B  }
0xa2: {  	_ =	swait.ge [sflag:s23], $0x1  }
0xa3: {  	[sflag:s23] =	ssyncset.done $0x0  }
0xa4: {  	s25 =	simm.s32 $0x1B8E;
	s24 =	sld [smem:$0x3FFE];
	[sflag:s23] =	ssyncadd.s32 $0xFFFFFFFF  }
0xa5: {  	s26 =	simm.s32 $execute0_lowered;
	[smem:$0x3FD2] =	sst s25  }
0xa6: {  	s4 =	sshll.u32 s26, $0x1;
	_ =	strace $0x80000046;
	[dreg:$0x1] =	wrdreg $0xFFFFFFFF  }
0xa7: {  	s28 =	simm.s32 $_size_execute0_lowered;
	s2 =	sadd.s32 s2, s4;
	[dreg:$0x0] =	wrdreg $0x0  }
0xa8: {  	s4 =	sshll.u32 s28, $0x1;
	[dreg:$0x2] =	wrdreg s2  }
0xa9: {  	[dreg:$0x3] =	wrdreg s4  }
0xaa: {  	[dreg:$0x4] =	wrdreg $0xC0  }
0xab: {  	_ =	task [dreg:s6], $0x5FFFF  }
0xac: {  	[dreg:$0x1] =	wrdreg $0xFFFFFFFF  }
0xad: {  	[dreg:$0x0] =	wrdreg $0x60  }
0xae: {  	[dreg:$0x2] =	wrdreg s24  }
0xaf: {  	[dreg:$0x3] =	wrdreg $0xA  }
0xb0: {  	_ =	task.clear_ibuf [dreg:s6], $0x4FFFF;
	_ =	strace $0x90000046  }
0xb1: {  	s29 =	simm.s32 $0xA;
	_ =	strace $0x80000048  }
0xb2: {  	_ =	swait.ge [sflag:s29], $0x1  }
0xb3: {  	[sflag:s29] =	ssyncadd.s32 $0xFFFFFFFF  }
0xb4: {  	_ =	strace $0x90000048  }
0xb5: {  	_ =	sfence  }
0xb6: {  	s30 =	sld [smem:$0x0];
	_ =	sdelay $0x2  }
0xb7: {  	s31 =	sshll.u32 s1, $0xD;
	s1 =	sshrl.u32 s1, $0x2  }
0xb8: {  	s3 =	sand.u32 $0x4000, s31;
	s1 =	sadd.s32 s1, s30  }
0xb9: {  	s0 =	sor.u32 s3, s0;
	s1 =	sshll.u32 s1, $0x11  }
0xba: {  	s0 =	sor.u32 s1, s0  }
0xbb: {  	s0 =	sadd.s32 $0x8F2B, s0  }
0xbc: {  	[sflag:s0] =	ssyncadd.remote.s32 $0x1  }
0xbd: {  	_ =	sfence.sel $0xFFFF  }
0xbe: {  	[dreg:$0x0] =	wrdreg $0xFFFFFFFF;
	(pc) =	sbr.abs _section_cstart, $3  }
0xbf: {  	[dreg:$0x1] =	wrdreg $0xFFFFFFFF  }
0xc0: {  	_ =	task.clear_ibuf [dreg:s6], $0x2FFFF;
	_ =	strace $0x9FFFFFFF  }
0xc1: {  	(tm) =	ssettm $0x7FFFFFFF  }
tec
execute0_lowered:
.L_overlay_start_1:
0x0: {  	(tag) =	ssettag $0x1  }
0x1: {  	s3 =	rddreg [dreg:$0x0]  }
0x2: {  	s0 =	rddreg [dreg:$0x1]  }
0x3: {  	s4 =	srdreg.scid;
	s1 =	stileid.u32;
	s2 =	simm.s32 $0x0  }
0x4: {  	s12 =	simm.s32 $0x3;
	s13 =	simm.s32 $0x8000;
	s14 =	simm.s32 $0x12000  }
0x5: {  	s15 =	simm.s32 $0x14000;
	s16 =	simm.s32 $0x2;
	s17 =	simm.s32 $0x4  }
0x6: {  	s18 =	simm.s32 $0x16000;
	s19 =	simm.s32 $0x5;
	s20 =	simm.s32 $0x6  }
0x7: {  	s21 =	simm.s32 $0x0;
	s4 =	sand.u32 $0x1, s4;
	s5 =	sshll.u32 s1, $0x1  }
0x8: {  	[smem:$0x7FF] =	sst s2;
	s6 =	sadd.s32 $0x22400, s3;
	s9 =	sadd.s32 $0x62400, s3  }
0x9: {  	s5 =	sor.u32 s4, s5;
	_ =	strace $0x80000047;
	s4 =	ssub.s32 $0x2, s4  }
0xa: {  	s7 =	sshll.u32 s5, $0xB;
	s28 =	sshrl.u32 s4, $0x1;
	s10 =	sshll.u32 s5, $0x6  }
0xb: {  	s29 =	sshll.u32 s5, $0xD;
	s8 =	sadd.s32 s7, s3;
	s11 =	ssub.s32 s4, s28  }
0xc: {  	s10 =	sor.u32 $0x20, s10;
	s3 =	sadd.s32 s6, s29;
	s7 =	sadd.s32 s9, s7  }
0xd: {  	s4 =	sadd.s32 $0x12400, s8;
	s30 =	sshll.u32 s10, $0x7;
	s31 =	sshll.u32 s10, $0x5  }
0xe: {  	s10 =	simm.s32 $0x10000;
	s5 =	sadd.s32 s6, s30;
	s6 =	sadd.s32 $0x12800, s8  }
0xf: {  	s8 =	sadd.s32 s9, s31;
	s9 =	smax.u32 s11, $0x1;
	s11 =	simm.s32 $0x1  }
.LBB2_1:
0x10: {  	[tilespmem:s2], [sflag:$0x1] =	stream.linear.gather [hbm4b:s3+s2], $0x8000, $0x38;
	[tilespmem:$0x18000] =	vst v63  }
0x11: {  	_ = 	snop  }
0x12: {  	[tilespmem:s10], [sflag:$0x3] =	stream.linear.gather [hbm4b:s4+s2], $0x2000, $0x38;
	[tilespmem:$0x18000] =	vst v63  }
0x13: {  	_ =	swait.ge [sflag:s11], $0x8000  }
0x14: {  	[sflag:s11] =	ssyncset.done $0x0  }
0x15: {  	[sflag:s11] =	ssyncadd.s32 $0xFFFF8000  }
0x16: {  	_ =	swait.ge [sflag:s12], $0x2000  }
0x17: {  	[sflag:s12] =	ssyncset.done $0x0  }
0x18: {  	s22 =	sand.u32 $0x1800, s2;
	s23 =	sand.u32 $0x380, s2;
	[sflag:s12] =	ssyncadd.s32 $0xFFFFE000  }
0x19: {  	[tilespmem:s13], [sflag:$0x2] =	stream.linear.gather [hbm4b:s5+s2], $0x8000, $0x38;
	[tilespmem:$0x18000] =	vst v63  }
0x1a: {  	s22 =	sor.u32 s23, s22  }
0x1b: {  	[tilespmem:s14], [sflag:$0x4] =	stream.linear.gather [hbm4b:s6+s2], $0x2000, $0x38;
	[tilespmem:$0x18000] =	vst v63  }
0x1c: {  	v0 =	vld [tilespmem:s22+$0x10000];
	_ =	sdelay $0x4  }
0x1d: {  	v0 =	vadd.s32 s2, v0  }
0x1e: {  	v1 =	vld [tilespmem:s22+$0x10010];
	_ =	sdelay $0x3  }
0x1f: {  	v0 =	vld.idx.msk [tilespmem:v0+s2+$0x0], $0xffff  }
0x20: {  	v1 =	vadd.s32 s2, v1  }
0x21: {  	v2 =	vld [tilespmem:s22+$0x10020];
	_ =	sdelay $0x2  }
0x22: {  	[tilespmem:s22+$0x14000] =	vst v0  }
0x23: {  	v0 =	vld.idx.msk [tilespmem:v1+s2+$0x0], $0xffff  }
0x24: {  	v1 =	vadd.s32 s2, v2  }
0x25: {  	v2 =	vld [tilespmem:s22+$0x10030];
	_ =	sdelay $0x2  }
0x26: {  	[tilespmem:s22+$0x14010] =	vst v0  }
0x27: {  	v0 =	vld.idx.msk [tilespmem:v1+s2+$0x0], $0xffff  }
0x28: {  	v1 =	vadd.s32 s2, v2  }
0x29: {  	v2 =	vld [tilespmem:s22+$0x10040];
	_ =	sdelay $0x2  }
0x2a: {  	[tilespmem:s22+$0x14020] =	vst v0  }
0x2b: {  	v0 =	vld.idx.msk [tilespmem:v1+s2+$0x0], $0xffff  }
0x2c: {  	v1 =	vadd.s32 s2, v2  }
0x2d: {  	v2 =	vld [tilespmem:s22+$0x10050];
	_ =	sdelay $0x2  }
0x2e: {  	[tilespmem:s22+$0x14030] =	vst v0  }
0x2f: {  	v0 =	vld.idx.msk [tilespmem:v1+s2+$0x0], $0xffff  }
0x30: {  	v1 =	vadd.s32 s2, v2  }
0x31: {  	v2 =	vld [tilespmem:s22+$0x10060];
	_ =	sdelay $0x2  }
0x32: {  	[tilespmem:s22+$0x14040] =	vst v0  }
0x33: {  	v0 =	vld.idx.msk [tilespmem:v1+s2+$0x0], $0xffff  }
0x34: {  	v1 =	vadd.s32 s2, v2  }
0x35: {  	v2 =	vld [tilespmem:s22+$0x10070];
	_ =	sdelay $0x2  }
0x36: {  	[tilespmem:s22+$0x14050] =	vst v0  }
0x37: {  	v0 =	vld.idx.msk [tilespmem:v1+s2+$0x0], $0xffff  }
0x38: {  	v1 =	vadd.s32 s2, v2  }
0x39: {  	v2 =	vld [tilespmem:s22+$0x10400];
	_ =	sdelay $0x2  }
0x3a: {  	[tilespmem:s22+$0x14060] =	vst v0  }
0x3b: {  	v0 =	vld.idx.msk [tilespmem:v1+s2+$0x0], $0xffff  }
0x3c: {  	v1 =	vadd.s32 s2, v2  }
0x3d: {  	v2 =	vld [tilespmem:s22+$0x10410];
	_ =	sdelay $0x2  }
0x3e: {  	[tilespmem:s22+$0x14070] =	vst v0  }
0x3f: {  	v0 =	vld.idx.msk [tilespmem:v1+s2+$0x0], $0xffff  }
0x40: {  	v1 =	vadd.s32 s2, v2  }
0x41: {  	v2 =	vld [tilespmem:s22+$0x10420];
	_ =	sdelay $0x2  }
0x42: {  	[tilespmem:s22+$0x14400] =	vst v0  }
0x43: {  	v0 =	vld.idx.msk [tilespmem:v1+s2+$0x0], $0xffff  }
0x44: {  	v1 =	vadd.s32 s2, v2  }
0x45: {  	v2 =	vld [tilespmem:s22+$0x10430];
	_ =	sdelay $0x2  }
0x46: {  	[tilespmem:s22+$0x14410] =	vst v0  }
0x47: {  	v0 =	vld.idx.msk [tilespmem:v1+s2+$0x0], $0xffff  }
0x48: {  	v1 =	vadd.s32 s2, v2  }
0x49: {  	v2 =	vld [tilespmem:s22+$0x10438];
	_ =	sdelay $0x2  }
0x4a: {  	[tilespmem:s22+$0x14420] =	vst v0  }
0x4b: {  	s24 =	simm.s32 $0x80;
	s25 =	simm.s32 $0x100;
	s26 =	simm.s32 $0x800;
	v0 =	vld.idx.msk [tilespmem:v1+s2+$0x0], $0xffff  }
0x4c: {  	s23 =	simm.s32 $0x400;
	s29 =	sand.u32 $0x1800, s25;
	s30 =	sand.u32 $0x380, s24;
	v1 =	vadd.s32 s2, v2  }
.LBB2_2:
0x4d: {  	p0 =	sne.s32 s26, $0x7C00;
	s29 =	sor.u32 s30, s29;
	s28 =	smov.u32 s23  }
0x4e: {  	s23 =	smov.u32 s26;
	v2 =	vld [tilespmem:s29+$0x10000];
	_ =	sdelay $0x1  }
0x4f: {  	[tilespmem:s22+$0x14430] =	vst v0  }
0x50: {  	v0 =	vld.idx.msk [tilespmem:v1+s2+$0x0], $0xffff;
	_ =	sdelay $0x1  }
0x51: {  	v1 =	vadd.s32 s28, v2;
	_ =	sdelay $0x1  }
0x52: {  	v2 =	vld [tilespmem:s29+$0x10010];
	_ =	sdelay $0x1  }
0x53: {  	[tilespmem:s22+$0x14438] =	vst v0;
	s22 =	smov.u32 s29  }
0x54: {  	v0 =	vld.idx.msk [tilespmem:v1+s2+$0x0], $0xffff;
	_ =	sdelay $0x1  }
0x55: {  	v1 =	vadd.s32 s28, v2;
	_ =	sdelay $0x1  }
0x56: {  	v2 =	vld [tilespmem:s22+$0x10020];
	_ =	sdelay $0x1  }
0x57: {  	[tilespmem:s22+$0x14000] =	vst v0  }
0x58: {  	v0 =	vld.idx.msk [tilespmem:v1+s2+$0x0], $0xffff;
	_ =	sdelay $0x1  }
0x59: {  	v1 =	vadd.s32 s28, v2;
	_ =	sdelay $0x1  }
0x5a: {  	v2 =	vld [tilespmem:s22+$0x10030];
	_ =	sdelay $0x1  }
0x5b: {  	[tilespmem:s22+$0x14010] =	vst v0  }
0x5c: {  	v0 =	vld.idx.msk [tilespmem:v1+s2+$0x0], $0xffff;
	_ =	sdelay $0x1  }
0x5d: {  	v1 =	vadd.s32 s28, v2;
	_ =	sdelay $0x1  }
0x5e: {  	v2 =	vld [tilespmem:s22+$0x10040];
	_ =	sdelay $0x1  }
0x5f: {  	[tilespmem:s22+$0x14020] =	vst v0  }
0x60: {  	v0 =	vld.idx.msk [tilespmem:v1+s2+$0x0], $0xffff;
	_ =	sdelay $0x1  }
0x61: {  	v1 =	vadd.s32 s28, v2;
	_ =	sdelay $0x1  }
0x62: {  	v2 =	vld [tilespmem:s22+$0x10050];
	_ =	sdelay $0x1  }
0x63: {  	[tilespmem:s22+$0x14030] =	vst v0  }
0x64: {  	v0 =	vld.idx.msk [tilespmem:v1+s2+$0x0], $0xffff;
	_ =	sdelay $0x1  }
0x65: {  	v1 =	vadd.s32 s28, v2;
	_ =	sdelay $0x1  }
0x66: {  	v2 =	vld [tilespmem:s22+$0x10060];
	_ =	sdelay $0x1  }
0x67: {  	[tilespmem:s22+$0x14040] =	vst v0  }
0x68: {  	v0 =	vld.idx.msk [tilespmem:v1+s2+$0x0], $0xffff;
	_ =	sdelay $0x1  }
0x69: {  	v1 =	vadd.s32 s28, v2;
	_ =	sdelay $0x1  }
0x6a: {  	v2 =	vld [tilespmem:s22+$0x10070];
	_ =	sdelay $0x1  }
0x6b: {  	[tilespmem:s22+$0x14050] =	vst v0  }
0x6c: {  	v0 =	vld.idx.msk [tilespmem:v1+s2+$0x0], $0xffff;
	_ =	sdelay $0x1  }
0x6d: {  	v1 =	vadd.s32 s28, v2;
	_ =	sdelay $0x1  }
0x6e: {  	v2 =	vld [tilespmem:s22+$0x10400];
	_ =	sdelay $0x1  }
0x6f: {  	[tilespmem:s22+$0x14060] =	vst v0  }
0x70: {  	v0 =	vld.idx.msk [tilespmem:v1+s2+$0x0], $0xffff;
	_ =	sdelay $0x1  }
0x71: {  	v1 =	vadd.s32 s28, v2;
	_ =	sdelay $0x1  }
0x72: {  	v2 =	vld [tilespmem:s22+$0x10410];
	_ =	sdelay $0x1  }
0x73: {  	[tilespmem:s22+$0x14070] =	vst v0  }
0x74: {  	v0 =	vld.idx.msk [tilespmem:v1+s2+$0x0], $0xffff;
	_ =	sdelay $0x1  }
0x75: {  	v1 =	vadd.s32 s28, v2;
	_ =	sdelay $0x1  }
0x76: {  	v2 =	vld [tilespmem:s22+$0x10420];
	_ =	sdelay $0x1  }
0x77: {  	[tilespmem:s22+$0x14400] =	vst v0  }
0x78: {  	v0 =	vld.idx.msk [tilespmem:v1+s2+$0x0], $0xffff;
	_ =	sdelay $0x1  }
0x79: {  	v1 =	vadd.s32 s28, v2;
	_ =	sdelay $0x1  }
0x7a: {  	v2 =	vld [tilespmem:s22+$0x10430];
	_ =	sdelay $0x1  }
0x7b: {  	[tilespmem:s22+$0x14410] =	vst v0  }
0x7c: {  	v0 =	vld.idx.msk [tilespmem:v1+s2+$0x0], $0xffff;
	_ =	sdelay $0x1  }
0x7d: {  	v1 =	vadd.s32 s28, v2;
	_ =	sdelay $0x1  }
0x7e: {  	v2 =	vld [tilespmem:s22+$0x10438]  }
.Ltmp0:
0x7f: {  	(pc) =	sbr.rel @p0 .LBB2_2-.Ltmp0, $4  }
0x80: {  	[tilespmem:s22+$0x14420] =	vst v0  }
0x81: {  	v0 =	vld.idx.msk [tilespmem:v1+s2+$0x0], $0xffff  }
0x82: {  	s24 =	sadd.s32 $0x80, s24;
	s25 =	sadd.s32 $0x100, s25  }
0x83: {  	s26 =	sadd.s32 $0x400, s26;
	s30 =	sand.u32 $0x380, s24;
	s29 =	sand.u32 $0x1800, s25;
	v1 =	vadd.s32 s28, v2  }
0x84: {  	s24 =	sor.u32 s30, s29  }
0x85: {  	v2 =	vld [tilespmem:s24+$0x10000];
	_ =	sdelay $0x2  }
0x86: {  	[tilespmem:s22+$0x14430] =	vst v0  }
0x87: {  	v0 =	vld.idx.msk [tilespmem:v1+s2+$0x0], $0xffff  }
0x88: {  	v1 =	vadd.s32 s23, v2  }
0x89: {  	v2 =	vld [tilespmem:s24+$0x10010];
	_ =	sdelay $0x2  }
0x8a: {  	[tilespmem:s22+$0x14438] =	vst v0  }
0x8b: {  	v0 =	vld.idx.msk [tilespmem:v1+s2+$0x0], $0xffff  }
0x8c: {  	v1 =	vadd.s32 s23, v2  }
0x8d: {  	v2 =	vld [tilespmem:s24+$0x10020];
	_ =	sdelay $0x2  }
0x8e: {  	[tilespmem:s24+$0x14000] =	vst v0  }
0x8f: {  	v0 =	vld.idx.msk [tilespmem:v1+s2+$0x0], $0xffff  }
0x90: {  	v1 =	vadd.s32 s23, v2  }
0x91: {  	v2 =	vld [tilespmem:s24+$0x10030];
	_ =	sdelay $0x2  }
0x92: {  	[tilespmem:s24+$0x14010] =	vst v0  }
0x93: {  	v0 =	vld.idx.msk [tilespmem:v1+s2+$0x0], $0xffff  }
0x94: {  	v1 =	vadd.s32 s23, v2  }
0x95: {  	v2 =	vld [tilespmem:s24+$0x10040];
	_ =	sdelay $0x2  }
0x96: {  	[tilespmem:s24+$0x14020] =	vst v0  }
0x97: {  	v0 =	vld.idx.msk [tilespmem:v1+s2+$0x0], $0xffff  }
0x98: {  	v1 =	vadd.s32 s23, v2  }
0x99: {  	v2 =	vld [tilespmem:s24+$0x10050];
	_ =	sdelay $0x2  }
0x9a: {  	[tilespmem:s24+$0x14030] =	vst v0  }
0x9b: {  	v0 =	vld.idx.msk [tilespmem:v1+s2+$0x0], $0xffff  }
0x9c: {  	v1 =	vadd.s32 s23, v2  }
0x9d: {  	v2 =	vld [tilespmem:s24+$0x10060];
	_ =	sdelay $0x2  }
0x9e: {  	[tilespmem:s24+$0x14040] =	vst v0  }
0x9f: {  	v0 =	vld.idx.msk [tilespmem:v1+s2+$0x0], $0xffff  }
0xa0: {  	v1 =	vadd.s32 s23, v2  }
0xa1: {  	v2 =	vld [tilespmem:s24+$0x10070];
	_ =	sdelay $0x2  }
0xa2: {  	[tilespmem:s24+$0x14050] =	vst v0  }
0xa3: {  	v0 =	vld.idx.msk [tilespmem:v1+s2+$0x0], $0xffff  }
0xa4: {  	v1 =	vadd.s32 s23, v2  }
0xa5: {  	v2 =	vld [tilespmem:s24+$0x10400];
	_ =	sdelay $0x2  }
0xa6: {  	[tilespmem:s24+$0x14060] =	vst v0  }
0xa7: {  	v0 =	vld.idx.msk [tilespmem:v1+s2+$0x0], $0xffff  }
0xa8: {  	v1 =	vadd.s32 s23, v2  }
0xa9: {  	v2 =	vld [tilespmem:s24+$0x10410];
	_ =	sdelay $0x2  }
0xaa: {  	[tilespmem:s24+$0x14070] =	vst v0  }
0xab: {  	v0 =	vld.idx.msk [tilespmem:v1+s2+$0x0], $0xffff  }
0xac: {  	v1 =	vadd.s32 s23, v2  }
0xad: {  	v2 =	vld [tilespmem:s24+$0x10420];
	_ =	sdelay $0x2  }
0xae: {  	[tilespmem:s24+$0x14400] =	vst v0  }
0xaf: {  	v0 =	vld.idx.msk [tilespmem:v1+s2+$0x0], $0xffff  }
0xb0: {  	v1 =	vadd.s32 s23, v2  }
0xb1: {  	v2 =	vld [tilespmem:s24+$0x10430];
	_ =	sdelay $0x2  }
0xb2: {  	[tilespmem:s24+$0x14410] =	vst v0  }
0xb3: {  	v0 =	vld.idx.msk [tilespmem:v1+s2+$0x0], $0xffff  }
0xb4: {  	v1 =	vadd.s32 s23, v2  }
0xb5: {  	v2 =	vld [tilespmem:s24+$0x10438];
	_ =	sdelay $0x2  }
0xb6: {  	[tilespmem:s24+$0x14420] =	vst v0  }
0xb7: {  	v0 =	vld.idx.msk [tilespmem:v1+s2+$0x0], $0xffff  }
0xb8: {  	v1 =	vadd.s32 s23, v2;
	_ =	sdelay $0x3  }
0xb9: {  	[tilespmem:s24+$0x14430] =	vst v0  }
0xba: {  	v0 =	vld.idx.msk [tilespmem:v1+s2+$0x0], $0xffff;
	_ =	sdelay $0x4  }
0xbb: {  	s28 =	simm.s32 $0x0;
	[tilespmem:s24+$0x14438] =	vst v0  }
0xbc: {  	[hbm4b:s7+s28] =	stream.linear.scatter [tilespmem:s15], [sflag:$0x5], $0x2000, $0x38;
	[tilespmem:$0x18000] =	vst v63  }
0xbd: {  	_ =	swait.ge [sflag:s16], $0x8000  }
0xbe: {  	[sflag:s16] =	ssyncset.done $0x0  }
0xbf: {  	[sflag:s16] =	ssyncadd.s32 $0xFFFF8000  }
0xc0: {  	_ =	swait.ge [sflag:s17], $0x2000  }
0xc1: {  	s26 =	sand.u32 $0x1800, s28;
	s31 =	sand.u32 $0x380, s28;
	[sflag:s17] =	ssyncset.done $0x0  }
0xc2: {  	s22 =	sor.u32 s31, s26;
	[sflag:s17] =	ssyncadd.s32 $0xFFFFE000  }
0xc3: {  	v0 =	vld [tilespmem:s22+$0x12000];
	_ =	sdelay $0x4  }
0xc4: {  	v0 =	vadd.s32 s28, v0  }
0xc5: {  	v1 =	vld [tilespmem:s22+$0x12010];
	_ =	sdelay $0x3  }
0xc6: {  	v0 =	vld.idx.msk [tilespmem:v0+s13+$0x0], $0xffff  }
0xc7: {  	v1 =	vadd.s32 s28, v1  }
0xc8: {  	v2 =	vld [tilespmem:s22+$0x12020];
	_ =	sdelay $0x2  }
0xc9: {  	[tilespmem:s22+$0x16000] =	vst v0  }
0xca: {  	v0 =	vld.idx.msk [tilespmem:v1+s13+$0x0], $0xffff  }
0xcb: {  	v1 =	vadd.s32 s28, v2  }
0xcc: {  	v2 =	vld [tilespmem:s22+$0x12030];
	_ =	sdelay $0x2  }
0xcd: {  	[tilespmem:s22+$0x16010] =	vst v0  }
0xce: {  	v0 =	vld.idx.msk [tilespmem:v1+s13+$0x0], $0xffff  }
0xcf: {  	v1 =	vadd.s32 s28, v2  }
0xd0: {  	v2 =	vld [tilespmem:s22+$0x12040];
	_ =	sdelay $0x2  }
0xd1: {  	[tilespmem:s22+$0x16020] =	vst v0  }
0xd2: {  	v0 =	vld.idx.msk [tilespmem:v1+s13+$0x0], $0xffff  }
0xd3: {  	v1 =	vadd.s32 s28, v2  }
0xd4: {  	v2 =	vld [tilespmem:s22+$0x12050];
	_ =	sdelay $0x2  }
0xd5: {  	[tilespmem:s22+$0x16030] =	vst v0  }
0xd6: {  	v0 =	vld.idx.msk [tilespmem:v1+s13+$0x0], $0xffff  }
0xd7: {  	v1 =	vadd.s32 s28, v2  }
0xd8: {  	v2 =	vld [tilespmem:s22+$0x12060];
	_ =	sdelay $0x2  }
0xd9: {  	[tilespmem:s22+$0x16040] =	vst v0  }
0xda: {  	v0 =	vld.idx.msk [tilespmem:v1+s13+$0x0], $0xffff  }
0xdb: {  	v1 =	vadd.s32 s28, v2  }
0xdc: {  	v2 =	vld [tilespmem:s22+$0x12070];
	_ =	sdelay $0x2  }
0xdd: {  	[tilespmem:s22+$0x16050] =	vst v0  }
0xde: {  	v0 =	vld.idx.msk [tilespmem:v1+s13+$0x0], $0xffff  }
0xdf: {  	v1 =	vadd.s32 s28, v2  }
0xe0: {  	v2 =	vld [tilespmem:s22+$0x12400];
	_ =	sdelay $0x2  }
0xe1: {  	[tilespmem:s22+$0x16060] =	vst v0  }
0xe2: {  	v0 =	vld.idx.msk [tilespmem:v1+s13+$0x0], $0xffff  }
0xe3: {  	v1 =	vadd.s32 s28, v2  }
0xe4: {  	v2 =	vld [tilespmem:s22+$0x12410];
	_ =	sdelay $0x2  }
0xe5: {  	[tilespmem:s22+$0x16070] =	vst v0  }
0xe6: {  	v0 =	vld.idx.msk [tilespmem:v1+s13+$0x0], $0xffff  }
0xe7: {  	v1 =	vadd.s32 s28, v2  }
0xe8: {  	v2 =	vld [tilespmem:s22+$0x12420];
	_ =	sdelay $0x2  }
0xe9: {  	[tilespmem:s22+$0x16400] =	vst v0  }
0xea: {  	v0 =	vld.idx.msk [tilespmem:v1+s13+$0x0], $0xffff  }
0xeb: {  	v1 =	vadd.s32 s28, v2  }
0xec: {  	v2 =	vld [tilespmem:s22+$0x12430];
	_ =	sdelay $0x2  }
0xed: {  	[tilespmem:s22+$0x16410] =	vst v0  }
0xee: {  	v0 =	vld.idx.msk [tilespmem:v1+s13+$0x0], $0xffff  }
0xef: {  	v1 =	vadd.s32 s28, v2  }
0xf0: {  	v2 =	vld [tilespmem:s22+$0x12438];
	_ =	sdelay $0x2  }
0xf1: {  	s25 =	simm.s32 $0x100;
	[tilespmem:s22+$0x16420] =	vst v0  }
0xf2: {  	s29 =	sand.u32 $0x1800, s25;
	s24 =	simm.s32 $0x80;
	v0 =	vld.idx.msk [tilespmem:v1+s13+$0x0], $0xffff  }
0xf3: {  	s26 =	simm.s32 $0x800;
	s23 =	simm.s32 $0x400;
	s30 =	sand.u32 $0x380, s24;
	v1 =	vadd.s32 s28, v2  }
.LBB2_4:
0xf4: {  	p0 =	sne.s32 s26, $0x7C00;
	s29 =	sor.u32 s30, s29;
	s28 =	smov.u32 s23  }
0xf5: {  	s23 =	smov.u32 s26;
	v2 =	vld [tilespmem:s29+$0x12000];
	_ =	sdelay $0x1  }
0xf6: {  	[tilespmem:s22+$0x16430] =	vst v0  }
0xf7: {  	v0 =	vld.idx.msk [tilespmem:v1+s13+$0x0], $0xffff;
	_ =	sdelay $0x1  }
0xf8: {  	v1 =	vadd.s32 s28, v2;
	_ =	sdelay $0x1  }
0xf9: {  	v2 =	vld [tilespmem:s29+$0x12010];
	_ =	sdelay $0x1  }
0xfa: {  	[tilespmem:s22+$0x16438] =	vst v0;
	s22 =	smov.u32 s29  }
0xfb: {  	v0 =	vld.idx.msk [tilespmem:v1+s13+$0x0], $0xffff;
	_ =	sdelay $0x1  }
0xfc: {  	v1 =	vadd.s32 s28, v2;
	_ =	sdelay $0x1  }
0xfd: {  	v2 =	vld [tilespmem:s22+$0x12020];
	_ =	sdelay $0x1  }
0xfe: {  	[tilespmem:s22+$0x16000] =	vst v0  }
0xff: {  	v0 =	vld.idx.msk [tilespmem:v1+s13+$0x0], $0xffff;
	_ =	sdelay $0x1  }
0x100: {  	v1 =	vadd.s32 s28, v2;
	_ =	sdelay $0x1  }
0x101: {  	v2 =	vld [tilespmem:s22+$0x12030];
	_ =	sdelay $0x1  }
0x102: {  	[tilespmem:s22+$0x16010] =	vst v0  }
0x103: {  	v0 =	vld.idx.msk [tilespmem:v1+s13+$0x0], $0xffff;
	_ =	sdelay $0x1  }
0x104: {  	v1 =	vadd.s32 s28, v2;
	_ =	sdelay $0x1  }
0x105: {  	v2 =	vld [tilespmem:s22+$0x12040];
	_ =	sdelay $0x1  }
0x106: {  	[tilespmem:s22+$0x16020] =	vst v0  }
0x107: {  	v0 =	vld.idx.msk [tilespmem:v1+s13+$0x0], $0xffff;
	_ =	sdelay $0x1  }
0x108: {  	v1 =	vadd.s32 s28, v2;
	_ =	sdelay $0x1  }
0x109: {  	v2 =	vld [tilespmem:s22+$0x12050];
	_ =	sdelay $0x1  }
0x10a: {  	[tilespmem:s22+$0x16030] =	vst v0  }
0x10b: {  	v0 =	vld.idx.msk [tilespmem:v1+s13+$0x0], $0xffff;
	_ =	sdelay $0x1  }
0x10c: {  	v1 =	vadd.s32 s28, v2;
	_ =	sdelay $0x1  }
0x10d: {  	v2 =	vld [tilespmem:s22+$0x12060];
	_ =	sdelay $0x1  }
0x10e: {  	[tilespmem:s22+$0x16040] =	vst v0  }
0x10f: {  	v0 =	vld.idx.msk [tilespmem:v1+s13+$0x0], $0xffff;
	_ =	sdelay $0x1  }
0x110: {  	v1 =	vadd.s32 s28, v2;
	_ =	sdelay $0x1  }
0x111: {  	v2 =	vld [tilespmem:s22+$0x12070];
	_ =	sdelay $0x1  }
0x112: {  	[tilespmem:s22+$0x16050] =	vst v0  }
0x113: {  	v0 =	vld.idx.msk [tilespmem:v1+s13+$0x0], $0xffff;
	_ =	sdelay $0x1  }
0x114: {  	v1 =	vadd.s32 s28, v2;
	_ =	sdelay $0x1  }
0x115: {  	v2 =	vld [tilespmem:s22+$0x12400];
	_ =	sdelay $0x1  }
0x116: {  	[tilespmem:s22+$0x16060] =	vst v0  }
0x117: {  	v0 =	vld.idx.msk [tilespmem:v1+s13+$0x0], $0xffff;
	_ =	sdelay $0x1  }
0x118: {  	v1 =	vadd.s32 s28, v2;
	_ =	sdelay $0x1  }
0x119: {  	v2 =	vld [tilespmem:s22+$0x12410];
	_ =	sdelay $0x1  }
0x11a: {  	[tilespmem:s22+$0x16070] =	vst v0  }
0x11b: {  	v0 =	vld.idx.msk [tilespmem:v1+s13+$0x0], $0xffff;
	_ =	sdelay $0x1  }
0x11c: {  	v1 =	vadd.s32 s28, v2;
	_ =	sdelay $0x1  }
0x11d: {  	v2 =	vld [tilespmem:s22+$0x12420];
	_ =	sdelay $0x1  }
0x11e: {  	[tilespmem:s22+$0x16400] =	vst v0  }
0x11f: {  	v0 =	vld.idx.msk [tilespmem:v1+s13+$0x0], $0xffff;
	_ =	sdelay $0x1  }
0x120: {  	v1 =	vadd.s32 s28, v2;
	_ =	sdelay $0x1  }
0x121: {  	v2 =	vld [tilespmem:s22+$0x12430];
	_ =	sdelay $0x1  }
0x122: {  	[tilespmem:s22+$0x16410] =	vst v0  }
0x123: {  	v0 =	vld.idx.msk [tilespmem:v1+s13+$0x0], $0xffff;
	_ =	sdelay $0x1  }
0x124: {  	v1 =	vadd.s32 s28, v2;
	_ =	sdelay $0x1  }
0x125: {  	v2 =	vld [tilespmem:s22+$0x12438]  }
.Ltmp1:
0x126: {  	(pc) =	sbr.rel @p0 .LBB2_4-.Ltmp1, $4  }
0x127: {  	[tilespmem:s22+$0x16420] =	vst v0  }
0x128: {  	v0 =	vld.idx.msk [tilespmem:v1+s13+$0x0], $0xffff  }
0x129: {  	s24 =	sadd.s32 $0x80, s24;
	s25 =	sadd.s32 $0x100, s25  }
0x12a: {  	s26 =	sadd.s32 $0x400, s26;
	s30 =	sand.u32 $0x380, s24;
	s29 =	sand.u32 $0x1800, s25;
	v1 =	vadd.s32 s28, v2  }
0x12b: {  	s24 =	sor.u32 s30, s29  }
0x12c: {  	v2 =	vld [tilespmem:s24+$0x12000];
	_ =	sdelay $0x2  }
0x12d: {  	[tilespmem:s22+$0x16430] =	vst v0  }
0x12e: {  	v0 =	vld.idx.msk [tilespmem:v1+s13+$0x0], $0xffff  }
0x12f: {  	v39 =	vadd.s32 s23, v2  }
0x130: {  	v40 =	vld [tilespmem:s24+$0x12010];
	_ =	sdelay $0x2  }
0x131: {  	[tilespmem:s22+$0x16438] =	vst v0  }
0x132: {  	v0 =	vld.idx.msk [tilespmem:v39+s13+$0x0], $0xffff  }
0x133: {  	v41 =	vadd.s32 s23, v40  }
0x134: {  	v42 =	vld [tilespmem:s24+$0x12020];
	_ =	sdelay $0x2  }
0x135: {  	[tilespmem:s24+$0x16000] =	vst v0  }
0x136: {  	v0 =	vld.idx.msk [tilespmem:v41+s13+$0x0], $0xffff  }
0x137: {  	v43 =	vadd.s32 s23, v42  }
0x138: {  	v44 =	vld [tilespmem:s24+$0x12030];
	_ =	sdelay $0x2  }
0x139: {  	[tilespmem:s24+$0x16010] =	vst v0  }
0x13a: {  	v0 =	vld.idx.msk [tilespmem:v43+s13+$0x0], $0xffff  }
0x13b: {  	v45 =	vadd.s32 s23, v44  }
0x13c: {  	v46 =	vld [tilespmem:s24+$0x12040];
	_ =	sdelay $0x2  }
0x13d: {  	[tilespmem:s24+$0x16020] =	vst v0  }
0x13e: {  	v0 =	vld.idx.msk [tilespmem:v45+s13+$0x0], $0xffff  }
0x13f: {  	v47 =	vadd.s32 s23, v46  }
0x140: {  	v48 =	vld [tilespmem:s24+$0x12050];
	_ =	sdelay $0x2  }
0x141: {  	[tilespmem:s24+$0x16030] =	vst v0  }
0x142: {  	v0 =	vld.idx.msk [tilespmem:v47+s13+$0x0], $0xffff  }
0x143: {  	v49 =	vadd.s32 s23, v48  }
0x144: {  	v50 =	vld [tilespmem:s24+$0x12060];
	_ =	sdelay $0x2  }
0x145: {  	[tilespmem:s24+$0x16040] =	vst v0  }
0x146: {  	v0 =	vld.idx.msk [tilespmem:v49+s13+$0x0], $0xffff  }
0x147: {  	v51 =	vadd.s32 s23, v50  }
0x148: {  	v52 =	vld [tilespmem:s24+$0x12070];
	_ =	sdelay $0x2  }
0x149: {  	[tilespmem:s24+$0x16050] =	vst v0  }
0x14a: {  	v0 =	vld.idx.msk [tilespmem:v51+s13+$0x0], $0xffff  }
0x14b: {  	v53 =	vadd.s32 s23, v52  }
0x14c: {  	v54 =	vld [tilespmem:s24+$0x12400];
	_ =	sdelay $0x2  }
0x14d: {  	[tilespmem:s24+$0x16060] =	vst v0  }
0x14e: {  	v0 =	vld.idx.msk [tilespmem:v53+s13+$0x0], $0xffff  }
0x14f: {  	v55 =	vadd.s32 s23, v54  }
0x150: {  	v56 =	vld [tilespmem:s24+$0x12410];
	_ =	sdelay $0x2  }
0x151: {  	[tilespmem:s24+$0x16070] =	vst v0  }
0x152: {  	v0 =	vld.idx.msk [tilespmem:v55+s13+$0x0], $0xffff  }
0x153: {  	v57 =	vadd.s32 s23, v56  }
0x154: {  	v58 =	vld [tilespmem:s24+$0x12420];
	_ =	sdelay $0x2  }
0x155: {  	[tilespmem:s24+$0x16400] =	vst v0  }
0x156: {  	v0 =	vld.idx.msk [tilespmem:v57+s13+$0x0], $0xffff  }
0x157: {  	v59 =	vadd.s32 s23, v58  }
0x158: {  	v60 =	vld [tilespmem:s24+$0x12430];
	_ =	sdelay $0x2  }
0x159: {  	[tilespmem:s24+$0x16410] =	vst v0  }
0x15a: {  	v0 =	vld.idx.msk [tilespmem:v59+s13+$0x0], $0xffff  }
0x15b: {  	v61 =	vadd.s32 s23, v60  }
0x15c: {  	v62 =	vld [tilespmem:s24+$0x12438];
	_ =	sdelay $0x2  }
0x15d: {  	[tilespmem:s24+$0x16420] =	vst v0  }
0x15e: {  	v0 =	vld.idx.msk [tilespmem:v61+s13+$0x0], $0xffff  }
0x15f: {  	v63 =	vadd.s32 s23, v62;
	_ =	sdelay $0x3  }
0x160: {  	[tilespmem:s24+$0x16430] =	vst v0  }
0x161: {  	v0 =	vld.idx.msk [tilespmem:v63+s13+$0x0], $0xffff;
	_ =	sdelay $0x4  }
0x162: {  	s21 =	sadd.s32 $0x1, s21;
	[tilespmem:s24+$0x16438] =	vst v0  }
0x163: {  	[hbm4b:s8+s2] =	stream.linear.scatter [tilespmem:s18], [sflag:$0x6], $0x2000, $0x38;
	[tilespmem:$0x18000] =	vst v63  }
0x164: {  	p0 =	sne.s32 s21, s9;
	_ =	swait.ge [sflag:s19], $0x2000  }
.Ltmp2:
0x165: {  	[sflag:s19] =	ssyncset.done $0x0;
	(pc) =	sbr.rel @p0 .LBB2_1-.Ltmp2, $4  }
0x166: {  	[sflag:s19] =	ssyncadd.s32 $0xFFFFE000  }
0x167: {  	_ =	swait.ge [sflag:s20], $0x2000  }
0x168: {  	[sflag:s20] =	ssyncset.done $0x0  }
0x169: {  	[sflag:s20] =	ssyncadd.s32 $0xFFFFE000  }
0x16a: {  	_ =	sfence.sel $0x180000  }
0x16b: {  	[bflag:$0x0] =	sbarrier.arrive $0xFFFF  }
0x16c: {  	p0 =	sne.s32 s1, $0x0;
	_ =	strace $0x90000047  }
0x16d: {  	s0 =	sadd.s32 @!p0 $0x100000, s0;
	[bflag:$0x2] =	sbarrier.arrive $0xFFFF  }
0x16e: {  	[sflag:s0] =	ssyncadd.tile.s32 @!p0 $0x1;
	_ =	shalt  }
.Lfunc_end2:
_tile_overlayer_lowered:
.L_overlay_start_2:
0x16f: {  	(tag) =	ssettag $0x2  }
0x170: {  	s0 =	rddreg [dreg:$0x0];
	s2 =	stileid.u32  }
0x171: {  	s1 =	rddreg [dreg:$0x1];
	p0 =	sne.s32 s2, $0x0  }
0x172: {  	s3 =	rddreg [dreg:$0x2];
	[bflag:$0x3] =	sbarrier.arrive $0xFFFF;
	s2 =	simm.s32 @!p0 $0x1C07  }
0x173: {  	[timem:s3], [sflag:s2] =	dma.local @!p0 [hbm:s0], s1  }
0x174: {  	s0 =	simm.s32 @!p0 $0x7  }
0x175: {  	_ =	swait.ge @!p0 [sflag:s0], s1  }
0x176: {  	s1 =	ssub.s32 @!p0 $0x0, s1;
	[sflag:s0] =	ssyncset.done @!p0 $0x0  }
0x177: {  	[sflag:s0] =	ssyncadd.s32 @!p0 s1  }
0x178: {  	[bflag:$0x3] =	sbarrier.arrive $0xFFFF  }
0x179: {  	_ =	shalt  }

// kernel: kernel.8.cloned.1.call-start
scs
__scs_entry_jumppad:
0x0: {  	(pc) =	sbr.rel $0x88, $3  }
0x1: {  	(tag) =	ssettag $0x0;
	lr =	simm.s32 $0x1  }
0x2: {  	[smem:$0x3F96] =	sst lr;
	_ =	strace $0xD0000000  }
0x3: {  	_ = 	snop  }
0x4: {  	_ = 	snop  }
0x5: {  	_ = 	snop  }
0x6: {  	_ = 	snop  }
0x7: {  	_ = 	snop  }
__scs_overlays_trampoline_lowered:
0x8: {  	[smem:$0x3FA5] =	sst s0  }
0x9: {  	[smem:$0x3FA6] =	sst s1  }
0xa: {  	[smem:$0x3FA7] =	sst s2  }
0xb: {  	[smem:$0x3FA8] =	sst s3  }
0xc: {  	[smem:$0x3FA9] =	sst s4  }
0xd: {  	[smem:$0x3FAA] =	sst s5  }
0xe: {  	[smem:$0x3FAB] =	sst s6  }
0xf: {  	[smem:$0x3FAC] =	sst s7  }
0x10: {  	[smem:$0x3FAD] =	sst s8  }
0x11: {  	[smem:$0x3FAE] =	sst s9;
	s0 =	simm.s32 @!p0 $0x0  }
0x12: {  	s1 =	sld [smem:$0x3F94];
	s0 =	simm.s32 @p0 $0x1  }
0x13: {  	[smem:$0x3FAF] =	sst s0;
	s0 =	simm.s32 @!p1 $0x0  }
0x14: {  	s2 =	sld [smem:$0x3F93];
	s0 =	simm.s32 @p1 $0x1  }
0x15: {  	[smem:$0x3FB0] =	sst s0;
	s0 =	simm.s32 @!p2 $0x0  }
0x16: {  	s3 =	sld [smem:$0x3FDB];
	s0 =	simm.s32 @p2 $0x1  }
0x17: {  	s4 =	simm.s32 $0x1BF5;
	[smem:$0x3FB2] =	sst s0  }
0x18: {  	s0 =	sld [smem:$0x3F95];
	_ =	swait.ge [sflag:s4], $0x0  }
0x19: {  	s7 =	sld [smem:$0x3F96]  }
0x1a: {  	s8 =	sadd.s32 $0xFFFFE003, lr  }
0x1b: {  	s9 =	sadd.s32 $0xFFFFFEF7, lr;
	s5 =	simm.s32 $0xFFFFFFFF;
	p2 =	slt.u32 s8, $0xFFFFF086  }
0x1c: {  	p1 =	slt.u32 s9, $0xF7A;
	s5 =	simm.s32 @!p2 $0x0  }
0x1d: {  	s5 =	simm.s32 @p1 $0x1;
	p0 =	seq.s32 s7, s2  }
0x1e: {  	s7 =	smul.u32 @!p0 $0xF7A, s2;
	p2 =	seq.s32 @!p0 s5, $0x0  }
0x1f: {  	s9 =	smul.u32 $0xF7A, s1;
	s8 =	simm.s32 @!p0 $0x1BF5;
	p2 =	por !p2, p0  }
0x20: {  	[sflag:s8] =	ssyncset.s32 @!p0 $0xFFFFF086;
	s6 =	sadd.s32 @!p0 s3, s7;
	s7 =	simm.s32 @!p0 $0x108  }
0x21: {  	s3 =	sadd.s32 s3, s9;
	s6 =	sadd.s32 @!p0 $0x88, s6;
	s7 =	simm.s32 @p2 $0x1082  }
0x22: {  	[simem:s7], [sflag:s8] =	dma.local @!p0 [hbm:s6], $0xF7A  }
0x23: {  	s9 =	sor.u32 $0xD0000000, s2;
	s6 =	simm.s32 $0x108;
	_ =	swait.ge @!p0 [sflag:s8], $0x0  }
0x24: {  	s3 =	sadd.s32 $0x88, s3;
	s6 =	simm.s32 @!p1 $0x1082;
	[sflag:s4] =	ssyncset.s32 $0xFFFFF086  }
0x25: {  	[simem:s6], [sflag:s4] =	dma.local [hbm:s3], $0xF7A  }
0x26: {  	[smem:$0x3F96] =	sst s1;
	(tag) =	ssettag s2;
	_ =	strace s9  }
0x27: {  	s1 =	sld [smem:$0x3FA6]  }
0x28: {  	s2 =	sld [smem:$0x3FA7]  }
0x29: {  	s4 =	sld [smem:$0x3FA9]  }
0x2a: {  	p0 =	seq.s32 s5, $0x0;
	s5 =	sld [smem:$0x3FAA]  }
0x2b: {  	s6 =	sld [smem:$0x3FAB]  }
0x2c: {  	s7 =	sld [smem:$0x3FAC]  }
0x2d: {  	s3 =	simm.s32 $0x108;
	s8 =	sld [smem:$0x3FAD]  }
0x2e: {  	s3 =	simm.s32 @!p0 $0x1082;
	s9 =	sld [smem:$0x3FAE]  }
0x2f: {  	lr =	sadd.s32 s0, s3;
	s0 =	sld [smem:$0x3FA5]  }
0x30: {  	s3 =	sld [smem:$0x3FA8]  }
0x31: {  	[smem:$0x3FB1] =	sst s10  }
0x32: {  	s10 =	sld [smem:$0x3FAF];
	_ =	sdelay $0x3  }
0x33: {  	p0 =	seq.s32 s10, $0x1;
	s10 =	sld [smem:$0x3FB1];
	_ =	sdelay $0x3  }
0x34: {  	[smem:$0x3FB1] =	sst s10  }
0x35: {  	s10 =	sld [smem:$0x3FB0];
	_ =	sdelay $0x3  }
0x36: {  	p1 =	seq.s32 s10, $0x1;
	s10 =	sld [smem:$0x3FB1];
	_ =	sdelay $0x3  }
0x37: {  	[smem:$0x3FB1] =	sst s10  }
0x38: {  	s10 =	sld [smem:$0x3FB2]  }
0x39: {  	_ = 	snop;
	(pc) =	sbr.ind lr, $3  }
0x3a: {  	_ = 	snop  }
0x3b: {  	_ = 	snop  }
0x3c: {  	p2 =	seq.s32 s10, $0x1;
	s10 =	sld [smem:$0x3FB1]  }
0x3d: {  	_ =	shalt  }
0x3e: {  	_ =	shalt  }
0x3f: {  	_ =	shalt  }
0x40: {  	_ =	shalt  }
0x41: {  	_ =	shalt  }
0x42: {  	_ =	shalt  }
0x43: {  	_ =	shalt  }
0x44: {  	_ =	shalt  }
0x45: {  	_ =	shalt  }
0x46: {  	_ =	shalt  }
0x47: {  	_ =	shalt  }
0x48: {  	_ =	shalt  }
0x49: {  	_ =	shalt  }
0x4a: {  	_ =	shalt  }
0x4b: {  	_ =	shalt  }
0x4c: {  	_ =	shalt  }
0x4d: {  	_ =	shalt  }
0x4e: {  	_ =	shalt  }
0x4f: {  	_ =	shalt  }
0x50: {  	_ =	shalt  }
0x51: {  	_ =	shalt  }
0x52: {  	_ =	shalt  }
0x53: {  	_ =	shalt  }
0x54: {  	_ =	shalt  }
0x55: {  	_ =	shalt  }
0x56: {  	_ =	shalt  }
0x57: {  	_ =	shalt  }
0x58: {  	_ =	shalt  }
0x59: {  	_ =	shalt  }
0x5a: {  	_ =	shalt  }
0x5b: {  	_ =	shalt  }
0x5c: {  	_ =	shalt  }
0x5d: {  	_ =	shalt  }
0x5e: {  	_ =	shalt  }
0x5f: {  	_ =	shalt  }
0x60: {  	_ =	shalt  }
0x61: {  	_ =	shalt  }
0x62: {  	_ =	shalt  }
0x63: {  	_ =	shalt  }
0x64: {  	_ =	shalt  }
0x65: {  	_ =	shalt  }
0x66: {  	_ =	shalt  }
0x67: {  	_ =	shalt  }
0x68: {  	_ =	shalt  }
0x69: {  	_ =	shalt  }
0x6a: {  	_ =	shalt  }
0x6b: {  	_ =	shalt  }
0x6c: {  	_ =	shalt  }
0x6d: {  	_ =	shalt  }
0x6e: {  	_ =	shalt  }
0x6f: {  	_ =	shalt  }
0x70: {  	_ =	shalt  }
0x71: {  	_ =	shalt  }
0x72: {  	_ =	shalt  }
0x73: {  	_ =	shalt  }
0x74: {  	_ =	shalt  }
0x75: {  	_ =	shalt  }
0x76: {  	_ =	shalt  }
0x77: {  	_ =	shalt  }
0x78: {  	_ =	shalt  }
0x79: {  	_ =	shalt  }
0x7a: {  	_ =	shalt  }
0x7b: {  	_ =	shalt  }
0x7c: {  	_ =	shalt  }
0x7d: {  	_ =	shalt  }
0x7e: {  	_ =	shalt  }
0x7f: {  	_ =	shalt  }
0x80: {  	_ =	shalt  }
0x81: {  	_ =	shalt  }
0x82: {  	_ =	shalt  }
0x83: {  	_ =	shalt  }
0x84: {  	_ =	shalt  }
0x85: {  	_ =	shalt  }
0x86: {  	_ =	shalt  }
0x87: {  	_ =	shalt  }
.Lfunc_end0:
.L_simem_size_0:
called_computation_lowered:
.L_overlay_start_0:
0x88: {  	s2 =	sld [smem:$0x3FD9]  }
0x89: {  	s3 =	sld [smem:$0x3FFE];
	_ =	sdelay $0x1  }
0x8a: {  	s1 =	srdreg.scid  }
0x8b: {  	s0 =	sand.u32 $0x1, s1  }
0x8c: {  	s17 =	sshll.u32 s0, $0xA;
	s2 =	sadd.s32 s3, s2  }
0x8d: {  	s2 =	sadd.s32 s2, s17  }
0x8e: {  	[smem:$0x3FBD] =	sst s2  }
0x8f: {  	_ = 	snop  }
0x90: {  	s18 =	sld [smem:$0x3FD0];
	(tm) =	ssettm $0x1  }
0x91: {  	s19 =	sld [smem:$0x3FFB];
	_ =	sdelay $0x3  }
0x92: {  	_ =	strace s19  }
0x93: {  	s2 =	sld [smem:$0x3FFC];
	_ =	sdelay $0x3  }
0x94: {  	_ =	strace s2  }
0x95: {  	s2 =	sld [smem:$0x3FFD];
	_ =	sdelay $0x3  }
0x96: {  	_ =	strace s2  }
0x97: {  	_ =	strace $0x8FFFFFFF  }
0x98: {  	s20 =	sld [smem:$0x3FDB];
	_ =	sdelay $0x1  }
0x99: {  	s4 =	simm.s32 $_scs_section_size  }
0x9a: {  	s5 =	simm.s32 $_size__tile_overlayer_lowered;
	s6 =	simm.s32 $_tile_overlayer_lowered  }
0x9b: {  	s7 =	simm.s32 $0x1BFF;
	s21 =	sshll.u32 s6, $0x1;
	s4 =	sadd.s32 s4, s20  }
0x9c: {  	s22 =	simm.s32 $0x0;
	s5 =	sshll.u32 s5, $0x1;
	s6 =	sadd.s32 s21, s4  }
0x9d: {  	[timem:s22], [sflag:s7] =	dma.local [hbm:s6], s5  }
0x9e: {  	_ =	swait.ge [sflag:s7], s5  }
0x9f: {  	s5 =	ssub.s32 $0x0, s5;
	[sflag:s7] =	ssyncset.done $0x0  }
0xa0: {  	[sflag:s7] =	ssyncadd.s32 s5;
	_ =	sdelay $0x1  }
0xa1: {  	s23 =	simm.s32 $0x1B8B  }
0xa2: {  	_ =	swait.ge [sflag:s23], $0x1  }
0xa3: {  	[sflag:s23] =	ssyncset.done $0x0  }
0xa4: {  	[sflag:s23] =	ssyncadd.s32 $0xFFFFFFFF  }
0xa5: {  	s5 =	sld [smem:$0x0]  }
0xa6: {  	s6 =	sand.u32 $0xFFFFFFFE, s1  }
0xa7: {  	p0 =	sne.s32 s1, s6  }
0xa8: {  	s6 =	sshll.u32 @p0 s6, $0xE  }
0xa9: {  	s6 =	sadd.s32 @p0 $0x11B8D, s6;
	s7 =	sshll.u32 @p0 s5, $0x11  }
0xaa: {  	s6 =	sor.u32 @p0 s7, s6  }
0xab: {  	[sflag:s6] =	ssyncadd.remote.s32 @p0 $0x1;
	_ =	sdelay $0x1  }
0xac: {  	s6 =	simm.s32 @p0 $0x1B8D  }
0xad: {  	_ =	swait.eq @p0 [sflag:s6], $0x1  }
0xae: {  	[sflag:s6] =	ssyncadd.s32 @p0 $0xFFFFFFFF  }
0xaf: {  	s7 =	sshll.u32 @!p0 s1, $0xE  }
0xb0: {  	s7 =	sor.u32 @!p0 $0x4000, s7;
	s6 =	simm.s32 @!p0 $0x1B8D  }
0xb1: {  	s5 =	sshll.u32 @!p0 s5, $0x11;
	s7 =	sadd.s32 @!p0 $0x11B8D, s7;
	_ =	swait.eq @!p0 [sflag:s6], $0x1  }
0xb2: {  	s5 =	sor.u32 @!p0 s5, s7;
	[sflag:s6] =	ssyncadd.s32 @!p0 $0xFFFFFFFF  }
0xb3: {  	s25 =	simm.s32 $0x1B8E;
	s24 =	sld [smem:$0x3FFE];
	[sflag:s5] =	ssyncadd.remote.s32 @!p0 $0x1  }
0xb4: {  	s26 =	simm.s32 $execute0_lowered;
	[smem:$0x3FD2] =	sst s25  }
0xb5: {  	s6 =	sshll.u32 s26, $0x1;
	_ =	strace $0x80000049;
	[dreg:$0x1] =	wrdreg $0xFFFFFFFF  }
0xb6: {  	s28 =	simm.s32 $_size_execute0_lowered;
	s4 =	sadd.s32 s4, s6;
	[dreg:$0x0] =	wrdreg $0x0  }
0xb7: {  	s6 =	sshll.u32 s28, $0x1;
	[dreg:$0x2] =	wrdreg s4  }
0xb8: {  	[dreg:$0x3] =	wrdreg s6  }
0xb9: {  	[dreg:$0x4] =	wrdreg $0xC0  }
0xba: {  	_ =	task [dreg:s22], $0x5FFFF  }
0xbb: {  	[dreg:$0x1] =	wrdreg $0xFFFFFFFF  }
0xbc: {  	[dreg:$0x0] =	wrdreg $0x60  }
0xbd: {  	[dreg:$0x2] =	wrdreg s24  }
0xbe: {  	[dreg:$0x3] =	wrdreg s18  }
0xbf: {  	[dreg:$0x4] =	wrdreg $0x9  }
0xc0: {  	_ =	task.clear_ibuf [dreg:s22], $0x5FFFF;
	_ =	strace $0x90000049  }
0xc1: {  	s29 =	simm.s32 $0x9;
	_ =	strace $0x8000004B  }
0xc2: {  	_ =	swait.ge [sflag:s29], $0x1  }
0xc3: {  	[sflag:s29] =	ssyncadd.s32 $0xFFFFFFFF  }
0xc4: {  	_ =	strace $0x9000004B  }
0xc5: {  	_ =	sfence  }
0xc6: {  	s30 =	sld [smem:$0x0];
	_ =	sdelay $0x2  }
0xc7: {  	s31 =	sshll.u32 s1, $0xD;
	s1 =	sshrl.u32 s1, $0x2  }
0xc8: {  	s4 =	sand.u32 $0x4000, s31;
	s1 =	sadd.s32 s1, s30  }
0xc9: {  	s0 =	sor.u32 s4, s0;
	s1 =	sshll.u32 s1, $0x11  }
0xca: {  	s0 =	sor.u32 s1, s0  }
0xcb: {  	s0 =	sadd.s32 $0x8F2B, s0  }
0xcc: {  	[sflag:s0] =	ssyncadd.remote.s32 $0x1  }
0xcd: {  	_ =	sfence.sel $0xFFFF  }
0xce: {  	[dreg:$0x0] =	wrdreg $0xFFFFFFFF;
	(pc) =	sbr.abs _section_cstart, $3  }
0xcf: {  	[dreg:$0x1] =	wrdreg $0xFFFFFFFF  }
0xd0: {  	_ =	task.clear_ibuf [dreg:s22], $0x2FFFF;
	_ =	strace $0x9FFFFFFF  }
0xd1: {  	(tm) =	ssettm $0x7FFFFFFF  }
tec
execute0_lowered:
.L_overlay_start_1:
0x0: {  	(tag) =	ssettag $0x1  }
0x1: {  	s3 =	rddreg [dreg:$0x0]  }
0x2: {  	s8 =	rddreg [dreg:$0x1]  }
0x3: {  	s0 =	rddreg [dreg:$0x2];
	s2 =	simm.s32 $0x0;
	s4 =	srdreg.scid  }
0x4: {  	s1 =	stileid.u32;
	s13 =	simm.s32 $0x8000;
	s14 =	simm.s32 $0x12000  }
0x5: {  	s15 =	simm.s32 $0x14000;
	s16 =	simm.s32 $0x2;
	s17 =	simm.s32 $0x4  }
0x6: {  	s18 =	simm.s32 $0x16000;
	s19 =	simm.s32 $0x5;
	s20 =	simm.s32 $0x6  }
0x7: {  	s21 =	simm.s32 $0x0;
	[smem:$0x7FF] =	sst s2;
	s5 =	sadd.s32 $0x72400, s3  }
0x8: {  	s4 =	sand.u32 $0x1, s4;
	s6 =	sshll.u32 s1, $0x1;
	s7 =	sadd.s32 $0x2400, s3  }
0x9: {  	_ =	strace $0x8000004A;
	s26 =	ssub.s32 $0x2, s4;
	s4 =	sor.u32 s4, s6  }
0xa: {  	s28 =	sshrl.u32 s26, $0x1;
	s9 =	sshll.u32 s4, $0x6;
	s10 =	sshll.u32 s4, $0xD  }
0xb: {  	s30 =	sshll.u32 s4, $0xB;
	s11 =	ssub.s32 s26, s28;
	s3 =	sadd.s32 s5, s10  }
0xc: {  	s29 =	sor.u32 $0x20, s9;
	s4 =	sadd.s32 s7, s30;
	s10 =	simm.s32 $0x10000  }
0xd: {  	s31 =	sshll.u32 s29, $0x7;
	s12 =	sshll.u32 s29, $0x5;
	s9 =	smax.u32 s11, $0x1  }
0xe: {  	s11 =	simm.s32 $0x1;
	s5 =	sadd.s32 s5, s31;
	s6 =	sadd.s32 s7, s12  }
0xf: {  	s7 =	sadd.s32 s8, s30;
	s8 =	sadd.s32 s8, s12;
	s12 =	simm.s32 $0x3  }
.LBB2_1:
0x10: {  	[tilespmem:s2], [sflag:$0x1] =	stream.linear.gather [hbm4b:s3+s2], $0x8000, $0x38;
	[tilespmem:$0x18000] =	vst v63  }
0x11: {  	_ = 	snop  }
0x12: {  	[tilespmem:s10], [sflag:$0x3] =	stream.linear.gather [hbm4b:s4+s2], $0x2000, $0x38;
	[tilespmem:$0x18000] =	vst v63  }
0x13: {  	_ =	swait.ge [sflag:s11], $0x8000  }
0x14: {  	[sflag:s11] =	ssyncset.done $0x0  }
0x15: {  	[sflag:s11] =	ssyncadd.s32 $0xFFFF8000  }
0x16: {  	_ =	swait.ge [sflag:s12], $0x2000  }
0x17: {  	[sflag:s12] =	ssyncset.done $0x0  }
0x18: {  	s22 =	sand.u32 $0x1800, s2;
	s23 =	sand.u32 $0x380, s2;
	[sflag:s12] =	ssyncadd.s32 $0xFFFFE000  }
0x19: {  	[tilespmem:s13], [sflag:$0x2] =	stream.linear.gather [hbm4b:s5+s2], $0x8000, $0x38;
	[tilespmem:$0x18000] =	vst v63  }
0x1a: {  	s22 =	sor.u32 s23, s22  }
0x1b: {  	[tilespmem:s14], [sflag:$0x4] =	stream.linear.gather [hbm4b:s6+s2], $0x2000, $0x38;
	[tilespmem:$0x18000] =	vst v63  }
0x1c: {  	v0 =	vld [tilespmem:s22+$0x10000];
	_ =	sdelay $0x4  }
0x1d: {  	v0 =	vadd.s32 s2, v0  }
0x1e: {  	v1 =	vld [tilespmem:s22+$0x10010];
	_ =	sdelay $0x3  }
0x1f: {  	v0 =	vld.idx.msk [tilespmem:v0+s2+$0x0], $0xffff  }
0x20: {  	v1 =	vadd.s32 s2, v1  }
0x21: {  	v2 =	vld [tilespmem:s22+$0x10020];
	_ =	sdelay $0x2  }
0x22: {  	[tilespmem:s22+$0x14000] =	vst v0  }
0x23: {  	v0 =	vld.idx.msk [tilespmem:v1+s2+$0x0], $0xffff  }
0x24: {  	v1 =	vadd.s32 s2, v2  }
0x25: {  	v2 =	vld [tilespmem:s22+$0x10030];
	_ =	sdelay $0x2  }
0x26: {  	[tilespmem:s22+$0x14010] =	vst v0  }
0x27: {  	v0 =	vld.idx.msk [tilespmem:v1+s2+$0x0], $0xffff  }
0x28: {  	v1 =	vadd.s32 s2, v2  }
0x29: {  	v2 =	vld [tilespmem:s22+$0x10040];
	_ =	sdelay $0x2  }
0x2a: {  	[tilespmem:s22+$0x14020] =	vst v0  }
0x2b: {  	v0 =	vld.idx.msk [tilespmem:v1+s2+$0x0], $0xffff  }
0x2c: {  	v1 =	vadd.s32 s2, v2  }
0x2d: {  	v2 =	vld [tilespmem:s22+$0x10050];
	_ =	sdelay $0x2  }
0x2e: {  	[tilespmem:s22+$0x14030] =	vst v0  }
0x2f: {  	v0 =	vld.idx.msk [tilespmem:v1+s2+$0x0], $0xffff  }
0x30: {  	v1 =	vadd.s32 s2, v2  }
0x31: {  	v2 =	vld [tilespmem:s22+$0x10060];
	_ =	sdelay $0x2  }
0x32: {  	[tilespmem:s22+$0x14040] =	vst v0  }
0x33: {  	v0 =	vld.idx.msk [tilespmem:v1+s2+$0x0], $0xffff  }
0x34: {  	v1 =	vadd.s32 s2, v2  }
0x35: {  	v2 =	vld [tilespmem:s22+$0x10070];
	_ =	sdelay $0x2  }
0x36: {  	[tilespmem:s22+$0x14050] =	vst v0  }
0x37: {  	v0 =	vld.idx.msk [tilespmem:v1+s2+$0x0], $0xffff  }
0x38: {  	v1 =	vadd.s32 s2, v2  }
0x39: {  	v2 =	vld [tilespmem:s22+$0x10400];
	_ =	sdelay $0x2  }
0x3a: {  	[tilespmem:s22+$0x14060] =	vst v0  }
0x3b: {  	v0 =	vld.idx.msk [tilespmem:v1+s2+$0x0], $0xffff  }
0x3c: {  	v1 =	vadd.s32 s2, v2  }
0x3d: {  	v2 =	vld [tilespmem:s22+$0x10410];
	_ =	sdelay $0x2  }
0x3e: {  	[tilespmem:s22+$0x14070] =	vst v0  }
0x3f: {  	v0 =	vld.idx.msk [tilespmem:v1+s2+$0x0], $0xffff  }
0x40: {  	v1 =	vadd.s32 s2, v2  }
0x41: {  	v2 =	vld [tilespmem:s22+$0x10420];
	_ =	sdelay $0x2  }
0x42: {  	[tilespmem:s22+$0x14400] =	vst v0  }
0x43: {  	v0 =	vld.idx.msk [tilespmem:v1+s2+$0x0], $0xffff  }
0x44: {  	v1 =	vadd.s32 s2, v2  }
0x45: {  	v2 =	vld [tilespmem:s22+$0x10430];
	_ =	sdelay $0x2  }
0x46: {  	[tilespmem:s22+$0x14410] =	vst v0  }
0x47: {  	v0 =	vld.idx.msk [tilespmem:v1+s2+$0x0], $0xffff  }
0x48: {  	v1 =	vadd.s32 s2, v2  }
0x49: {  	v2 =	vld [tilespmem:s22+$0x10438];
	_ =	sdelay $0x2  }
0x4a: {  	[tilespmem:s22+$0x14420] =	vst v0  }
0x4b: {  	s24 =	simm.s32 $0x80;
	s25 =	simm.s32 $0x100;
	s26 =	simm.s32 $0x800;
	v0 =	vld.idx.msk [tilespmem:v1+s2+$0x0], $0xffff  }
0x4c: {  	s23 =	simm.s32 $0x400;
	s29 =	sand.u32 $0x1800, s25;
	s30 =	sand.u32 $0x380, s24;
	v1 =	vadd.s32 s2, v2  }
.LBB2_2:
0x4d: {  	p0 =	sne.s32 s26, $0x7C00;
	s29 =	sor.u32 s30, s29;
	s28 =	smov.u32 s23  }
0x4e: {  	s23 =	smov.u32 s26;
	v2 =	vld [tilespmem:s29+$0x10000];
	_ =	sdelay $0x1  }
0x4f: {  	[tilespmem:s22+$0x14430] =	vst v0  }
0x50: {  	v0 =	vld.idx.msk [tilespmem:v1+s2+$0x0], $0xffff;
	_ =	sdelay $0x1  }
0x51: {  	v1 =	vadd.s32 s28, v2;
	_ =	sdelay $0x1  }
0x52: {  	v2 =	vld [tilespmem:s29+$0x10010];
	_ =	sdelay $0x1  }
0x53: {  	[tilespmem:s22+$0x14438] =	vst v0;
	s22 =	smov.u32 s29  }
0x54: {  	v0 =	vld.idx.msk [tilespmem:v1+s2+$0x0], $0xffff;
	_ =	sdelay $0x1  }
0x55: {  	v1 =	vadd.s32 s28, v2;
	_ =	sdelay $0x1  }
0x56: {  	v2 =	vld [tilespmem:s22+$0x10020];
	_ =	sdelay $0x1  }
0x57: {  	[tilespmem:s22+$0x14000] =	vst v0  }
0x58: {  	v0 =	vld.idx.msk [tilespmem:v1+s2+$0x0], $0xffff;
	_ =	sdelay $0x1  }
0x59: {  	v1 =	vadd.s32 s28, v2;
	_ =	sdelay $0x1  }
0x5a: {  	v2 =	vld [tilespmem:s22+$0x10030];
	_ =	sdelay $0x1  }
0x5b: {  	[tilespmem:s22+$0x14010] =	vst v0  }
0x5c: {  	v0 =	vld.idx.msk [tilespmem:v1+s2+$0x0], $0xffff;
	_ =	sdelay $0x1  }
0x5d: {  	v1 =	vadd.s32 s28, v2;
	_ =	sdelay $0x1  }
0x5e: {  	v2 =	vld [tilespmem:s22+$0x10040];
	_ =	sdelay $0x1  }
0x5f: {  	[tilespmem:s22+$0x14020] =	vst v0  }
0x60: {  	v0 =	vld.idx.msk [tilespmem:v1+s2+$0x0], $0xffff;
	_ =	sdelay $0x1  }
0x61: {  	v1 =	vadd.s32 s28, v2;
	_ =	sdelay $0x1  }
0x62: {  	v2 =	vld [tilespmem:s22+$0x10050];
	_ =	sdelay $0x1  }
0x63: {  	[tilespmem:s22+$0x14030] =	vst v0  }
0x64: {  	v0 =	vld.idx.msk [tilespmem:v1+s2+$0x0], $0xffff;
	_ =	sdelay $0x1  }
0x65: {  	v1 =	vadd.s32 s28, v2;
	_ =	sdelay $0x1  }
0x66: {  	v2 =	vld [tilespmem:s22+$0x10060];
	_ =	sdelay $0x1  }
0x67: {  	[tilespmem:s22+$0x14040] =	vst v0  }
0x68: {  	v0 =	vld.idx.msk [tilespmem:v1+s2+$0x0], $0xffff;
	_ =	sdelay $0x1  }
0x69: {  	v1 =	vadd.s32 s28, v2;
	_ =	sdelay $0x1  }
0x6a: {  	v2 =	vld [tilespmem:s22+$0x10070];
	_ =	sdelay $0x1  }
0x6b: {  	[tilespmem:s22+$0x14050] =	vst v0  }
0x6c: {  	v0 =	vld.idx.msk [tilespmem:v1+s2+$0x0], $0xffff;
	_ =	sdelay $0x1  }
0x6d: {  	v1 =	vadd.s32 s28, v2;
	_ =	sdelay $0x1  }
0x6e: {  	v2 =	vld [tilespmem:s22+$0x10400];
	_ =	sdelay $0x1  }
0x6f: {  	[tilespmem:s22+$0x14060] =	vst v0  }
0x70: {  	v0 =	vld.idx.msk [tilespmem:v1+s2+$0x0], $0xffff;
	_ =	sdelay $0x1  }
0x71: {  	v1 =	vadd.s32 s28, v2;
	_ =	sdelay $0x1  }
0x72: {  	v2 =	vld [tilespmem:s22+$0x10410];
	_ =	sdelay $0x1  }
0x73: {  	[tilespmem:s22+$0x14070] =	vst v0  }
0x74: {  	v0 =	vld.idx.msk [tilespmem:v1+s2+$0x0], $0xffff;
	_ =	sdelay $0x1  }
0x75: {  	v1 =	vadd.s32 s28, v2;
	_ =	sdelay $0x1  }
0x76: {  	v2 =	vld [tilespmem:s22+$0x10420];
	_ =	sdelay $0x1  }
0x77: {  	[tilespmem:s22+$0x14400] =	vst v0  }
0x78: {  	v0 =	vld.idx.msk [tilespmem:v1+s2+$0x0], $0xffff;
	_ =	sdelay $0x1  }
0x79: {  	v1 =	vadd.s32 s28, v2;
	_ =	sdelay $0x1  }
0x7a: {  	v2 =	vld [tilespmem:s22+$0x10430];
	_ =	sdelay $0x1  }
0x7b: {  	[tilespmem:s22+$0x14410] =	vst v0  }
0x7c: {  	v0 =	vld.idx.msk [tilespmem:v1+s2+$0x0], $0xffff;
	_ =	sdelay $0x1  }
0x7d: {  	v1 =	vadd.s32 s28, v2;
	_ =	sdelay $0x1  }
0x7e: {  	v2 =	vld [tilespmem:s22+$0x10438]  }
.Ltmp0:
0x7f: {  	(pc) =	sbr.rel @p0 .LBB2_2-.Ltmp0, $4  }
0x80: {  	[tilespmem:s22+$0x14420] =	vst v0  }
0x81: {  	v0 =	vld.idx.msk [tilespmem:v1+s2+$0x0], $0xffff  }
0x82: {  	s24 =	sadd.s32 $0x80, s24;
	s25 =	sadd.s32 $0x100, s25  }
0x83: {  	s26 =	sadd.s32 $0x400, s26;
	s30 =	sand.u32 $0x380, s24;
	s29 =	sand.u32 $0x1800, s25;
	v1 =	vadd.s32 s28, v2  }
0x84: {  	s24 =	sor.u32 s30, s29  }
0x85: {  	v2 =	vld [tilespmem:s24+$0x10000];
	_ =	sdelay $0x2  }
0x86: {  	[tilespmem:s22+$0x14430] =	vst v0  }
0x87: {  	v0 =	vld.idx.msk [tilespmem:v1+s2+$0x0], $0xffff  }
0x88: {  	v1 =	vadd.s32 s23, v2  }
0x89: {  	v2 =	vld [tilespmem:s24+$0x10010];
	_ =	sdelay $0x2  }
0x8a: {  	[tilespmem:s22+$0x14438] =	vst v0  }
0x8b: {  	v0 =	vld.idx.msk [tilespmem:v1+s2+$0x0], $0xffff  }
0x8c: {  	v1 =	vadd.s32 s23, v2  }
0x8d: {  	v2 =	vld [tilespmem:s24+$0x10020];
	_ =	sdelay $0x2  }
0x8e: {  	[tilespmem:s24+$0x14000] =	vst v0  }
0x8f: {  	v0 =	vld.idx.msk [tilespmem:v1+s2+$0x0], $0xffff  }
0x90: {  	v1 =	vadd.s32 s23, v2  }
0x91: {  	v2 =	vld [tilespmem:s24+$0x10030];
	_ =	sdelay $0x2  }
0x92: {  	[tilespmem:s24+$0x14010] =	vst v0  }
0x93: {  	v0 =	vld.idx.msk [tilespmem:v1+s2+$0x0], $0xffff  }
0x94: {  	v1 =	vadd.s32 s23, v2  }
0x95: {  	v2 =	vld [tilespmem:s24+$0x10040];
	_ =	sdelay $0x2  }
0x96: {  	[tilespmem:s24+$0x14020] =	vst v0  }
0x97: {  	v0 =	vld.idx.msk [tilespmem:v1+s2+$0x0], $0xffff  }
0x98: {  	v1 =	vadd.s32 s23, v2  }
0x99: {  	v2 =	vld [tilespmem:s24+$0x10050];
	_ =	sdelay $0x2  }
0x9a: {  	[tilespmem:s24+$0x14030] =	vst v0  }
0x9b: {  	v0 =	vld.idx.msk [tilespmem:v1+s2+$0x0], $0xffff  }
0x9c: {  	v1 =	vadd.s32 s23, v2  }
0x9d: {  	v2 =	vld [tilespmem:s24+$0x10060];
	_ =	sdelay $0x2  }
0x9e: {  	[tilespmem:s24+$0x14040] =	vst v0  }
0x9f: {  	v0 =	vld.idx.msk [tilespmem:v1+s2+$0x0], $0xffff  }
0xa0: {  	v1 =	vadd.s32 s23, v2  }
0xa1: {  	v2 =	vld [tilespmem:s24+$0x10070];
	_ =	sdelay $0x2  }
0xa2: {  	[tilespmem:s24+$0x14050] =	vst v0  }
0xa3: {  	v0 =	vld.idx.msk [tilespmem:v1+s2+$0x0], $0xffff  }
0xa4: {  	v1 =	vadd.s32 s23, v2  }
0xa5: {  	v2 =	vld [tilespmem:s24+$0x10400];
	_ =	sdelay $0x2  }
0xa6: {  	[tilespmem:s24+$0x14060] =	vst v0  }
0xa7: {  	v0 =	vld.idx.msk [tilespmem:v1+s2+$0x0], $0xffff  }
0xa8: {  	v1 =	vadd.s32 s23, v2  }
0xa9: {  	v2 =	vld [tilespmem:s24+$0x10410];
	_ =	sdelay $0x2  }
0xaa: {  	[tilespmem:s24+$0x14070] =	vst v0  }
0xab: {  	v0 =	vld.idx.msk [tilespmem:v1+s2+$0x0], $0xffff  }
0xac: {  	v1 =	vadd.s32 s23, v2  }
0xad: {  	v2 =	vld [tilespmem:s24+$0x10420];
	_ =	sdelay $0x2  }
0xae: {  	[tilespmem:s24+$0x14400] =	vst v0  }
0xaf: {  	v0 =	vld.idx.msk [tilespmem:v1+s2+$0x0], $0xffff  }
0xb0: {  	v1 =	vadd.s32 s23, v2  }
0xb1: {  	v2 =	vld [tilespmem:s24+$0x10430];
	_ =	sdelay $0x2  }
0xb2: {  	[tilespmem:s24+$0x14410] =	vst v0  }
0xb3: {  	v0 =	vld.idx.msk [tilespmem:v1+s2+$0x0], $0xffff  }
0xb4: {  	v1 =	vadd.s32 s23, v2  }
0xb5: {  	v2 =	vld [tilespmem:s24+$0x10438];
	_ =	sdelay $0x2  }
0xb6: {  	[tilespmem:s24+$0x14420] =	vst v0  }
0xb7: {  	v0 =	vld.idx.msk [tilespmem:v1+s2+$0x0], $0xffff  }
0xb8: {  	v1 =	vadd.s32 s23, v2;
	_ =	sdelay $0x3  }
0xb9: {  	[tilespmem:s24+$0x14430] =	vst v0  }
0xba: {  	v0 =	vld.idx.msk [tilespmem:v1+s2+$0x0], $0xffff;
	_ =	sdelay $0x4  }
0xbb: {  	s28 =	simm.s32 $0x0;
	[tilespmem:s24+$0x14438] =	vst v0  }
0xbc: {  	[hbm4b:s7+s28] =	stream.linear.scatter [tilespmem:s15], [sflag:$0x5], $0x2000, $0x38;
	[tilespmem:$0x18000] =	vst v63  }
0xbd: {  	_ =	swait.ge [sflag:s16], $0x8000  }
0xbe: {  	[sflag:s16] =	ssyncset.done $0x0  }
0xbf: {  	[sflag:s16] =	ssyncadd.s32 $0xFFFF8000  }
0xc0: {  	_ =	swait.ge [sflag:s17], $0x2000  }
0xc1: {  	s26 =	sand.u32 $0x1800, s28;
	s31 =	sand.u32 $0x380, s28;
	[sflag:s17] =	ssyncset.done $0x0  }
0xc2: {  	s22 =	sor.u32 s31, s26;
	[sflag:s17] =	ssyncadd.s32 $0xFFFFE000  }
0xc3: {  	v0 =	vld [tilespmem:s22+$0x12000];
	_ =	sdelay $0x4  }
0xc4: {  	v0 =	vadd.s32 s28, v0  }
0xc5: {  	v1 =	vld [tilespmem:s22+$0x12010];
	_ =	sdelay $0x3  }
0xc6: {  	v0 =	vld.idx.msk [tilespmem:v0+s13+$0x0], $0xffff  }
0xc7: {  	v1 =	vadd.s32 s28, v1  }
0xc8: {  	v2 =	vld [tilespmem:s22+$0x12020];
	_ =	sdelay $0x2  }
0xc9: {  	[tilespmem:s22+$0x16000] =	vst v0  }
0xca: {  	v0 =	vld.idx.msk [tilespmem:v1+s13+$0x0], $0xffff  }
0xcb: {  	v1 =	vadd.s32 s28, v2  }
0xcc: {  	v2 =	vld [tilespmem:s22+$0x12030];
	_ =	sdelay $0x2  }
0xcd: {  	[tilespmem:s22+$0x16010] =	vst v0  }
0xce: {  	v0 =	vld.idx.msk [tilespmem:v1+s13+$0x0], $0xffff  }
0xcf: {  	v1 =	vadd.s32 s28, v2  }
0xd0: {  	v2 =	vld [tilespmem:s22+$0x12040];
	_ =	sdelay $0x2  }
0xd1: {  	[tilespmem:s22+$0x16020] =	vst v0  }
0xd2: {  	v0 =	vld.idx.msk [tilespmem:v1+s13+$0x0], $0xffff  }
0xd3: {  	v1 =	vadd.s32 s28, v2  }
0xd4: {  	v2 =	vld [tilespmem:s22+$0x12050];
	_ =	sdelay $0x2  }
0xd5: {  	[tilespmem:s22+$0x16030] =	vst v0  }
0xd6: {  	v0 =	vld.idx.msk [tilespmem:v1+s13+$0x0], $0xffff  }
0xd7: {  	v1 =	vadd.s32 s28, v2  }
0xd8: {  	v2 =	vld [tilespmem:s22+$0x12060];
	_ =	sdelay $0x2  }
0xd9: {  	[tilespmem:s22+$0x16040] =	vst v0  }
0xda: {  	v0 =	vld.idx.msk [tilespmem:v1+s13+$0x0], $0xffff  }
0xdb: {  	v1 =	vadd.s32 s28, v2  }
0xdc: {  	v2 =	vld [tilespmem:s22+$0x12070];
	_ =	sdelay $0x2  }
0xdd: {  	[tilespmem:s22+$0x16050] =	vst v0  }
0xde: {  	v0 =	vld.idx.msk [tilespmem:v1+s13+$0x0], $0xffff  }
0xdf: {  	v1 =	vadd.s32 s28, v2  }
0xe0: {  	v2 =	vld [tilespmem:s22+$0x12400];
	_ =	sdelay $0x2  }
0xe1: {  	[tilespmem:s22+$0x16060] =	vst v0  }
0xe2: {  	v0 =	vld.idx.msk [tilespmem:v1+s13+$0x0], $0xffff  }
0xe3: {  	v1 =	vadd.s32 s28, v2  }
0xe4: {  	v2 =	vld [tilespmem:s22+$0x12410];
	_ =	sdelay $0x2  }
0xe5: {  	[tilespmem:s22+$0x16070] =	vst v0  }
0xe6: {  	v0 =	vld.idx.msk [tilespmem:v1+s13+$0x0], $0xffff  }
0xe7: {  	v1 =	vadd.s32 s28, v2  }
0xe8: {  	v2 =	vld [tilespmem:s22+$0x12420];
	_ =	sdelay $0x2  }
0xe9: {  	[tilespmem:s22+$0x16400] =	vst v0  }
0xea: {  	v0 =	vld.idx.msk [tilespmem:v1+s13+$0x0], $0xffff  }
0xeb: {  	v1 =	vadd.s32 s28, v2  }
0xec: {  	v2 =	vld [tilespmem:s22+$0x12430];
	_ =	sdelay $0x2  }
0xed: {  	[tilespmem:s22+$0x16410] =	vst v0  }
0xee: {  	v0 =	vld.idx.msk [tilespmem:v1+s13+$0x0], $0xffff  }
0xef: {  	v1 =	vadd.s32 s28, v2  }
0xf0: {  	v2 =	vld [tilespmem:s22+$0x12438];
	_ =	sdelay $0x2  }
0xf1: {  	s25 =	simm.s32 $0x100;
	[tilespmem:s22+$0x16420] =	vst v0  }
0xf2: {  	s29 =	sand.u32 $0x1800, s25;
	s24 =	simm.s32 $0x80;
	v0 =	vld.idx.msk [tilespmem:v1+s13+$0x0], $0xffff  }
0xf3: {  	s26 =	simm.s32 $0x800;
	s23 =	simm.s32 $0x400;
	s30 =	sand.u32 $0x380, s24;
	v1 =	vadd.s32 s28, v2  }
.LBB2_4:
0xf4: {  	p0 =	sne.s32 s26, $0x7C00;
	s29 =	sor.u32 s30, s29;
	s28 =	smov.u32 s23  }
0xf5: {  	s23 =	smov.u32 s26;
	v2 =	vld [tilespmem:s29+$0x12000];
	_ =	sdelay $0x1  }
0xf6: {  	[tilespmem:s22+$0x16430] =	vst v0  }
0xf7: {  	v0 =	vld.idx.msk [tilespmem:v1+s13+$0x0], $0xffff;
	_ =	sdelay $0x1  }
0xf8: {  	v1 =	vadd.s32 s28, v2;
	_ =	sdelay $0x1  }
0xf9: {  	v2 =	vld [tilespmem:s29+$0x12010];
	_ =	sdelay $0x1  }
0xfa: {  	[tilespmem:s22+$0x16438] =	vst v0;
	s22 =	smov.u32 s29  }
0xfb: {  	v0 =	vld.idx.msk [tilespmem:v1+s13+$0x0], $0xffff;
	_ =	sdelay $0x1  }
0xfc: {  	v1 =	vadd.s32 s28, v2;
	_ =	sdelay $0x1  }
0xfd: {  	v2 =	vld [tilespmem:s22+$0x12020];
	_ =	sdelay $0x1  }
0xfe: {  	[tilespmem:s22+$0x16000] =	vst v0  }
0xff: {  	v0 =	vld.idx.msk [tilespmem:v1+s13+$0x0], $0xffff;
	_ =	sdelay $0x1  }
0x100: {  	v1 =	vadd.s32 s28, v2;
	_ =	sdelay $0x1  }
0x101: {  	v2 =	vld [tilespmem:s22+$0x12030];
	_ =	sdelay $0x1  }
0x102: {  	[tilespmem:s22+$0x16010] =	vst v0  }
0x103: {  	v0 =	vld.idx.msk [tilespmem:v1+s13+$0x0], $0xffff;
	_ =	sdelay $0x1  }
0x104: {  	v1 =	vadd.s32 s28, v2;
	_ =	sdelay $0x1  }
0x105: {  	v2 =	vld [tilespmem:s22+$0x12040];
	_ =	sdelay $0x1  }
0x106: {  	[tilespmem:s22+$0x16020] =	vst v0  }
0x107: {  	v0 =	vld.idx.msk [tilespmem:v1+s13+$0x0], $0xffff;
	_ =	sdelay $0x1  }
0x108: {  	v1 =	vadd.s32 s28, v2;
	_ =	sdelay $0x1  }
0x109: {  	v2 =	vld [tilespmem:s22+$0x12050];
	_ =	sdelay $0x1  }
0x10a: {  	[tilespmem:s22+$0x16030] =	vst v0  }
0x10b: {  	v0 =	vld.idx.msk [tilespmem:v1+s13+$0x0], $0xffff;
	_ =	sdelay $0x1  }
0x10c: {  	v1 =	vadd.s32 s28, v2;
	_ =	sdelay $0x1  }
0x10d: {  	v2 =	vld [tilespmem:s22+$0x12060];
	_ =	sdelay $0x1  }
0x10e: {  	[tilespmem:s22+$0x16040] =	vst v0  }
0x10f: {  	v0 =	vld.idx.msk [tilespmem:v1+s13+$0x0], $0xffff;
	_ =	sdelay $0x1  }
0x110: {  	v1 =	vadd.s32 s28, v2;
	_ =	sdelay $0x1  }
0x111: {  	v2 =	vld [tilespmem:s22+$0x12070];
	_ =	sdelay $0x1  }
0x112: {  	[tilespmem:s22+$0x16050] =	vst v0  }
0x113: {  	v0 =	vld.idx.msk [tilespmem:v1+s13+$0x0], $0xffff;
	_ =	sdelay $0x1  }
0x114: {  	v1 =	vadd.s32 s28, v2;
	_ =	sdelay $0x1  }
0x115: {  	v2 =	vld [tilespmem:s22+$0x12400];
	_ =	sdelay $0x1  }
0x116: {  	[tilespmem:s22+$0x16060] =	vst v0  }
0x117: {  	v0 =	vld.idx.msk [tilespmem:v1+s13+$0x0], $0xffff;
	_ =	sdelay $0x1  }
0x118: {  	v1 =	vadd.s32 s28, v2;
	_ =	sdelay $0x1  }
0x119: {  	v2 =	vld [tilespmem:s22+$0x12410];
	_ =	sdelay $0x1  }
0x11a: {  	[tilespmem:s22+$0x16070] =	vst v0  }
0x11b: {  	v0 =	vld.idx.msk [tilespmem:v1+s13+$0x0], $0xffff;
	_ =	sdelay $0x1  }
0x11c: {  	v1 =	vadd.s32 s28, v2;
	_ =	sdelay $0x1  }
0x11d: {  	v2 =	vld [tilespmem:s22+$0x12420];
	_ =	sdelay $0x1  }
0x11e: {  	[tilespmem:s22+$0x16400] =	vst v0  }
0x11f: {  	v0 =	vld.idx.msk [tilespmem:v1+s13+$0x0], $0xffff;
	_ =	sdelay $0x1  }
0x120: {  	v1 =	vadd.s32 s28, v2;
	_ =	sdelay $0x1  }
0x121: {  	v2 =	vld [tilespmem:s22+$0x12430];
	_ =	sdelay $0x1  }
0x122: {  	[tilespmem:s22+$0x16410] =	vst v0  }
0x123: {  	v0 =	vld.idx.msk [tilespmem:v1+s13+$0x0], $0xffff;
	_ =	sdelay $0x1  }
0x124: {  	v1 =	vadd.s32 s28, v2;
	_ =	sdelay $0x1  }
0x125: {  	v2 =	vld [tilespmem:s22+$0x12438]  }
.Ltmp1:
0x126: {  	(pc) =	sbr.rel @p0 .LBB2_4-.Ltmp1, $4  }
0x127: {  	[tilespmem:s22+$0x16420] =	vst v0  }
0x128: {  	v0 =	vld.idx.msk [tilespmem:v1+s13+$0x0], $0xffff  }
0x129: {  	s24 =	sadd.s32 $0x80, s24;
	s25 =	sadd.s32 $0x100, s25  }
0x12a: {  	s26 =	sadd.s32 $0x400, s26;
	s30 =	sand.u32 $0x380, s24;
	s29 =	sand.u32 $0x1800, s25;
	v1 =	vadd.s32 s28, v2  }
0x12b: {  	s24 =	sor.u32 s30, s29  }
0x12c: {  	v2 =	vld [tilespmem:s24+$0x12000];
	_ =	sdelay $0x2  }
0x12d: {  	[tilespmem:s22+$0x16430] =	vst v0  }
0x12e: {  	v0 =	vld.idx.msk [tilespmem:v1+s13+$0x0], $0xffff  }
0x12f: {  	v39 =	vadd.s32 s23, v2  }
0x130: {  	v40 =	vld [tilespmem:s24+$0x12010];
	_ =	sdelay $0x2  }
0x131: {  	[tilespmem:s22+$0x16438] =	vst v0  }
0x132: {  	v0 =	vld.idx.msk [tilespmem:v39+s13+$0x0], $0xffff  }
0x133: {  	v41 =	vadd.s32 s23, v40  }
0x134: {  	v42 =	vld [tilespmem:s24+$0x12020];
	_ =	sdelay $0x2  }
0x135: {  	[tilespmem:s24+$0x16000] =	vst v0  }
0x136: {  	v0 =	vld.idx.msk [tilespmem:v41+s13+$0x0], $0xffff  }
0x137: {  	v43 =	vadd.s32 s23, v42  }
0x138: {  	v44 =	vld [tilespmem:s24+$0x12030];
	_ =	sdelay $0x2  }
0x139: {  	[tilespmem:s24+$0x16010] =	vst v0  }
0x13a: {  	v0 =	vld.idx.msk [tilespmem:v43+s13+$0x0], $0xffff  }
0x13b: {  	v45 =	vadd.s32 s23, v44  }
0x13c: {  	v46 =	vld [tilespmem:s24+$0x12040];
	_ =	sdelay $0x2  }
0x13d: {  	[tilespmem:s24+$0x16020] =	vst v0  }
0x13e: {  	v0 =	vld.idx.msk [tilespmem:v45+s13+$0x0], $0xffff  }
0x13f: {  	v47 =	vadd.s32 s23, v46  }
0x140: {  	v48 =	vld [tilespmem:s24+$0x12050];
	_ =	sdelay $0x2  }
0x141: {  	[tilespmem:s24+$0x16030] =	vst v0  }
0x142: {  	v0 =	vld.idx.msk [tilespmem:v47+s13+$0x0], $0xffff  }
0x143: {  	v49 =	vadd.s32 s23, v48  }
0x144: {  	v50 =	vld [tilespmem:s24+$0x12060];
	_ =	sdelay $0x2  }
0x145: {  	[tilespmem:s24+$0x16040] =	vst v0  }
0x146: {  	v0 =	vld.idx.msk [tilespmem:v49+s13+$0x0], $0xffff  }
0x147: {  	v51 =	vadd.s32 s23, v50  }
0x148: {  	v52 =	vld [tilespmem:s24+$0x12070];
	_ =	sdelay $0x2  }
0x149: {  	[tilespmem:s24+$0x16050] =	vst v0  }
0x14a: {  	v0 =	vld.idx.msk [tilespmem:v51+s13+$0x0], $0xffff  }
0x14b: {  	v53 =	vadd.s32 s23, v52  }
0x14c: {  	v54 =	vld [tilespmem:s24+$0x12400];
	_ =	sdelay $0x2  }
0x14d: {  	[tilespmem:s24+$0x16060] =	vst v0  }
0x14e: {  	v0 =	vld.idx.msk [tilespmem:v53+s13+$0x0], $0xffff  }
0x14f: {  	v55 =	vadd.s32 s23, v54  }
0x150: {  	v56 =	vld [tilespmem:s24+$0x12410];
	_ =	sdelay $0x2  }
0x151: {  	[tilespmem:s24+$0x16070] =	vst v0  }
0x152: {  	v0 =	vld.idx.msk [tilespmem:v55+s13+$0x0], $0xffff  }
0x153: {  	v57 =	vadd.s32 s23, v56  }
0x154: {  	v58 =	vld [tilespmem:s24+$0x12420];
	_ =	sdelay $0x2  }
0x155: {  	[tilespmem:s24+$0x16400] =	vst v0  }
0x156: {  	v0 =	vld.idx.msk [tilespmem:v57+s13+$0x0], $0xffff  }
0x157: {  	v59 =	vadd.s32 s23, v58  }
0x158: {  	v60 =	vld [tilespmem:s24+$0x12430];
	_ =	sdelay $0x2  }
0x159: {  	[tilespmem:s24+$0x16410] =	vst v0  }
0x15a: {  	v0 =	vld.idx.msk [tilespmem:v59+s13+$0x0], $0xffff  }
0x15b: {  	v61 =	vadd.s32 s23, v60  }
0x15c: {  	v62 =	vld [tilespmem:s24+$0x12438];
	_ =	sdelay $0x2  }
0x15d: {  	[tilespmem:s24+$0x16420] =	vst v0  }
0x15e: {  	v0 =	vld.idx.msk [tilespmem:v61+s13+$0x0], $0xffff  }
0x15f: {  	v63 =	vadd.s32 s23, v62;
	_ =	sdelay $0x3  }
0x160: {  	[tilespmem:s24+$0x16430] =	vst v0  }
0x161: {  	v0 =	vld.idx.msk [tilespmem:v63+s13+$0x0], $0xffff;
	_ =	sdelay $0x4  }
0x162: {  	s21 =	sadd.s32 $0x1, s21;
	[tilespmem:s24+$0x16438] =	vst v0  }
0x163: {  	[hbm4b:s8+s2] =	stream.linear.scatter [tilespmem:s18], [sflag:$0x6], $0x2000, $0x38;
	[tilespmem:$0x18000] =	vst v63  }
0x164: {  	p0 =	sne.s32 s21, s9;
	_ =	swait.ge [sflag:s19], $0x2000  }
.Ltmp2:
0x165: {  	[sflag:s19] =	ssyncset.done $0x0;
	(pc) =	sbr.rel @p0 .LBB2_1-.Ltmp2, $4  }
0x166: {  	[sflag:s19] =	ssyncadd.s32 $0xFFFFE000  }
0x167: {  	_ =	swait.ge [sflag:s20], $0x2000  }
0x168: {  	[sflag:s20] =	ssyncset.done $0x0  }
0x169: {  	[sflag:s20] =	ssyncadd.s32 $0xFFFFE000  }
0x16a: {  	_ =	sfence.sel $0x180000  }
0x16b: {  	[bflag:$0x0] =	sbarrier.arrive $0xFFFF  }
0x16c: {  	p0 =	sne.s32 s1, $0x0;
	_ =	strace $0x9000004A  }
0x16d: {  	s0 =	sadd.s32 @!p0 $0x100000, s0;
	[bflag:$0x2] =	sbarrier.arrive $0xFFFF  }
0x16e: {  	[sflag:s0] =	ssyncadd.tile.s32 @!p0 $0x1;
	_ =	shalt  }
.Lfunc_end2:
_tile_overlayer_lowered:
.L_overlay_start_2:
0x16f: {  	(tag) =	ssettag $0x2  }
0x170: {  	s0 =	rddreg [dreg:$0x0];
	s2 =	stileid.u32  }
0x171: {  	s1 =	rddreg [dreg:$0x1];
	p0 =	sne.s32 s2, $0x0  }
0x172: {  	s3 =	rddreg [dreg:$0x2];
	[bflag:$0x3] =	sbarrier.arrive $0xFFFF;
	s2 =	simm.s32 @!p0 $0x1C07  }
0x173: {  	[timem:s3], [sflag:s2] =	dma.local @!p0 [hbm:s0], s1  }
0x174: {  	s0 =	simm.s32 @!p0 $0x7  }
0x175: {  	_ =	swait.ge @!p0 [sflag:s0], s1  }
0x176: {  	s1 =	ssub.s32 @!p0 $0x0, s1;
	[sflag:s0] =	ssyncset.done @!p0 $0x0  }
0x177: {  	[sflag:s0] =	ssyncadd.s32 @!p0 s1  }
0x178: {  	[bflag:$0x3] =	sbarrier.arrive $0xFFFF  }
0x179: {  	_ =	shalt  }

</sc_bundles>
